<compile_context>
chip_gen: v7x
topology: tpu7x:2x2x1
jax: 0.10.2.dev20260603
libtpu: 0.0.44.dev20260713+nightly
codegen_flags: <defaults>
</compile_context>

<pallas_src>
import functools

import jax
import jax.numpy as jnp
from jax import lax
from jax.experimental import pallas as pl
from jax.experimental.pallas import tpu as pltpu
from jax.experimental.pallas import tpu_sc as plsc

_BATCH = 16384
_N = 256
_L = 16
_NG = _N // _L
_NC = 1
_NS = 16
_NW = _NC * _NS

_F_SC = 1024
_RPW = _F_SC // _NW
_CH = 32
_NCHUNK = _RPW // _CH
_NPAIR = _NCHUNK // 2

_BLK = 2560
_TC_ROWS = _BATCH - _F_SC


def _sc_body(x_hbm, w_hbm, no_hbm, out_hbm,
             no_v, w_v, xin0, xin1, xout0, xout1,
             sin0, sin1, sout0, sout1):
    wid = lax.axis_index("s") * _NC + lax.axis_index("c")
    obase = wid * _RPW
    base = _TC_ROWS + obase
    last = base + _RPW - _CH

    pltpu.sync_copy(no_hbm, no_v)
    pltpu.sync_copy(w_hbm, w_v)
    no_g = [no_v[pl.ds(g * _L, _L)] for g in range(_NG)]
    w_g = [w_v[pl.ds(g * _L, _L)] for g in range(_NG)]

    def start_in(buf, sem, row0):
        pltpu.async_copy(x_hbm.at[pl.ds(row0, _CH)], buf, sem)

    def wait_in(buf, sem):
        pltpu.make_async_copy(x_hbm.at[pl.ds(0, _CH)], buf, sem).wait()

    def start_out(buf, sem, row0):
        pltpu.async_copy(buf, out_hbm.at[pl.ds(row0, _CH)], sem)

    def wait_out(buf, sem):
        pltpu.make_async_copy(buf, out_hbm.at[pl.ds(0, _CH)], sem).wait()

    def compute(xi, xo):
        def row_body(r):
            rvec = jnp.full((_L,), r, jnp.int32)
            for g in range(_NG):
                vals = plsc.load_gather(xi, [rvec, no_g[g]])
                xo[r, pl.ds(g * _L, _L)] = vals * w_g[g]
        plsc.parallel_loop(0, _CH, unroll=1)(row_body)

    start_in(xin0, sin0, base)

    def pair_body(i, _):
        c0 = base + (2 * i) * _CH
        c1 = c0 + _CH
        o0 = obase + (2 * i) * _CH
        o1 = o0 + _CH
        start_in(xin1, sin1, c1)
        wait_in(xin0, sin0)

        @pl.when(i > 0)
        def _():
            wait_out(xout0, sout0)

        compute(xin0, xout0)
        start_out(xout0, sout0, o0)
        start_in(xin0, sin0, jnp.minimum(c1 + _CH, last))
        wait_in(xin1, sin1)

        @pl.when(i > 0)
        def _():
            wait_out(xout1, sout1)

        compute(xin1, xout1)
        start_out(xout1, sout1, o1)
        return 0

    lax.fori_loop(0, _NPAIR, pair_body, 0)

    wait_in(xin0, sin0)
    wait_out(xout0, sout0)
    wait_out(xout1, sout1)


def _sc_call(x, weights, node_order):
    mesh = plsc.VectorSubcoreMesh(core_axis_name="c", subcore_axis_name="s", num_cores=1)
    k = functools.partial(
        pl.kernel,
        mesh=mesh,
        out_type=jax.ShapeDtypeStruct((_F_SC, _N), jnp.float32),
        compiler_params=pltpu.CompilerParams(needs_layout_passes=False),
        scratch_types=[
            pltpu.VMEM((_N,), jnp.int32),
            pltpu.VMEM((_N,), jnp.float32),
            pltpu.VMEM((_CH, _N), jnp.float32),
            pltpu.VMEM((_CH, _N), jnp.float32),
            pltpu.VMEM((_CH, _N), jnp.float32),
            pltpu.VMEM((_CH, _N), jnp.float32),
            pltpu.SemaphoreType.DMA,
            pltpu.SemaphoreType.DMA,
            pltpu.SemaphoreType.DMA,
            pltpu.SemaphoreType.DMA,
        ],
    )(_sc_body)
    return k(x, weights, node_order)


def _tc_body(no_ref, w_ref, x_ref, o_ref, p_ref):
    @pl.when(pl.program_id(0) == 0)
    def _():
        ids = lax.broadcasted_iota(jnp.int32, (_N, _N), 0)
        p_ref[...] = jnp.where(ids == no_ref[...], w_ref[...],
                               jnp.float32(0.0))

    o_ref[...] = lax.dot_general(
        x_ref[...], p_ref[...], (((1,), (0,)), ((), ())),
        preferred_element_type=jnp.float32)


def _tc_call(x, no2d, w2d):
    nblk = _TC_ROWS // _BLK
    off = 0
    return pl.pallas_call(
        _tc_body,
        grid=(nblk,),
        in_specs=[
            pl.BlockSpec((1, _N), lambda i: (0, 0)),
            pl.BlockSpec((1, _N), lambda i: (0, 0)),
            pl.BlockSpec((_BLK, _N), lambda i: (i, 0)),
        ],
        out_specs=pl.BlockSpec((_BLK, _N), lambda i: (i, 0)),
        out_shape=jax.ShapeDtypeStruct((_BATCH, _N), jnp.float32),
        scratch_shapes=[pltpu.VMEM((_N, _N), jnp.float32)],
    )(no2d, w2d, x)


@jax.jit
def _run(x, weights, node_order):
    sc_out = _sc_call(x, weights, node_order)
    tc_full = _tc_call(x, node_order.reshape(1, _N), weights.reshape(1, _N))
    return lax.dynamic_update_slice(tc_full, sc_out, (_TC_ROWS, 0))


def kernel(x, weights, node_order):
    return _run(x, weights, node_order)

# --- scband reference (transcript-rebuilt; emitter-appended) ---
"""Pipeline reference for scband-project-output-72911364817546 (READ-ONLY COPY).

The authoritative reference and input builder live on the scoring server;
editing this copy changes nothing except your own understanding.
"""

import jax, jax.numpy as jnp
import numpy as np

BATCH = 16384
N_NODES = 256
SCALE = 0.5


def setup_inputs(seed: int = 0) -> dict:
    key = jax.random.key(seed)
    k1, = jax.random.split(key, 1)
    x = jax.random.normal(k1, (BATCH, N_NODES), dtype=jnp.float32)
    # weights = scaleFactor * ones(len(outputNames))  (learned parameter)
    weights = SCALE * jnp.ones((N_NODES,), dtype=jnp.float32)
    # nodeOrder: outputNames are nodeList reversed, so indices are 255..0
    node_order = jnp.arange(N_NODES - 1, -1, -1, dtype=jnp.int32)
    return {"x": x, "weights": weights, "node_order": node_order}


def reference(x, weights, node_order):
    # curOut = self.weights * x[:, self.nodeOrder]
    gathered = jnp.take(x, node_order, axis=1)
    return weights * gathered

if __name__ == "__main__":
    import jax
    _d = setup_inputs()
    print(jax.jit(kernel)(*tuple(_d.values())))

</pallas_src>

<mosaic_0001>
#map = affine_map<(d0, d1) -> (0, 0)>
#map1 = affine_map<(d0, d1) -> (0)>
module attributes {stable_mosaic.version = 14 : i64} {
  func.func @_sc_body(%arg0: i32, %arg1: i32, %arg2: memref<16384x256xf32, #tpu.memory_space<hbm>>, %arg3: memref<256xf32, #tpu.memory_space<hbm>>, %arg4: memref<256xi32, #tpu.memory_space<hbm>>, %arg5: memref<1024x256xf32, #tpu.memory_space<hbm>>, %arg6: memref<256xi32, #tpu.memory_space<vmem>>, %arg7: memref<256xf32, #tpu.memory_space<vmem>>, %arg8: memref<32x256xf32, #tpu.memory_space<vmem>>, %arg9: memref<32x256xf32, #tpu.memory_space<vmem>>, %arg10: memref<32x256xf32, #tpu.memory_space<vmem>>, %arg11: memref<32x256xf32, #tpu.memory_space<vmem>>, %arg12: memref<!tpu.dma_semaphore, #tpu.memory_space<semaphore_mem>>, %arg13: memref<!tpu.dma_semaphore, #tpu.memory_space<semaphore_mem>>, %arg14: memref<!tpu.dma_semaphore, #tpu.memory_space<semaphore_mem>>, %arg15: memref<!tpu.dma_semaphore, #tpu.memory_space<semaphore_mem>>) attributes {dimension_semantics = [#tpu.dimension_semantics<core_parallel>, #tpu.dimension_semantics<subcore_parallel>], iteration_bounds = array<i64: 1, 16>, scalar_prefetch = 0 : i64, scratch_operands = 10 : i64, tpu.core_type = #tpu.core_type<sc_vector_subcore>, window_params = [{transform_indices = #map}, {transform_indices = #map1}, {transform_indices = #map1}, {transform_indices = #map}]} {
    %mul3A = arith.constant 1 : i32
    %mul3A_0 = arith.muli %arg1, %mul3A : i32
    %add3A = arith.addi %mul3A_0, %arg0 : i32
    %mul3A_1 = arith.constant 64 : i32
    %mul3A_2 = arith.muli %add3A, %mul3A_1 : i32
    %add3A_3 = arith.constant 15360 : i32
    %add3A_4 = arith.addi %add3A_3, %mul3A_2 : i32
    %add3A_5 = arith.constant 64 : i32
    %add3A_6 = arith.addi %add3A_4, %add3A_5 : i32
    %sub3A = arith.constant 32 : i32
    %sub3A_7 = arith.subi %add3A_6, %sub3A : i32
    "tpu.region"() ({
      %run_scoped3A = tpu.sem_alloc : memref<!tpu.dma_semaphore, #tpu.memory_space<semaphore_mem>>
      tpu.enqueue_dma source(%arg4 : memref<256xi32, #tpu.memory_space<hbm>>) target(%arg6 : memref<256xi32, #tpu.memory_space<vmem>>) target_semaphore(%run_scoped3A : memref<!tpu.dma_semaphore, #tpu.memory_space<semaphore_mem>>)
      tpu.wait_dma2 semaphore(%run_scoped3A : memref<!tpu.dma_semaphore, #tpu.memory_space<semaphore_mem>>) src(%arg4 : memref<256xi32, #tpu.memory_space<hbm>>) dst(%arg6 : memref<256xi32, #tpu.memory_space<vmem>>)
      tpu.yield
    }) : () -> ()
    "tpu.region"() ({
      %run_scoped3A = tpu.sem_alloc : memref<!tpu.dma_semaphore, #tpu.memory_space<semaphore_mem>>
      tpu.enqueue_dma source(%arg3 : memref<256xf32, #tpu.memory_space<hbm>>) target(%arg7 : memref<256xf32, #tpu.memory_space<vmem>>) target_semaphore(%run_scoped3A : memref<!tpu.dma_semaphore, #tpu.memory_space<semaphore_mem>>)
      tpu.wait_dma2 semaphore(%run_scoped3A : memref<!tpu.dma_semaphore, #tpu.memory_space<semaphore_mem>>) src(%arg3 : memref<256xf32, #tpu.memory_space<hbm>>) dst(%arg7 : memref<256xf32, #tpu.memory_space<vmem>>)
      tpu.yield
    }) : () -> ()
    %get3A = arith.constant 0 : index
    %get3A_8 = tpu.vector_load %arg6[%get3A] {strides = array<i32>} : memref<256xi32, #tpu.memory_space<vmem>>, vector<16xi32>,
    %get3A_9 = arith.constant 16 : index
    %get3A_10 = tpu.vector_load %arg6[%get3A_9] {strides = array<i32>} : memref<256xi32, #tpu.memory_space<vmem>>, vector<16xi32>,
    %get3A_11 = arith.constant 32 : index
    %get3A_12 = tpu.vector_load %arg6[%get3A_11] {strides = array<i32>} : memref<256xi32, #tpu.memory_space<vmem>>, vector<16xi32>,
    %get3A_13 = arith.constant 48 : index
    %get3A_14 = tpu.vector_load %arg6[%get3A_13] {strides = array<i32>} : memref<256xi32, #tpu.memory_space<vmem>>, vector<16xi32>,
    %get3A_15 = arith.constant 64 : index
    %get3A_16 = tpu.vector_load %arg6[%get3A_15] {strides = array<i32>} : memref<256xi32, #tpu.memory_space<vmem>>, vector<16xi32>,
    %get3A_17 = arith.constant 80 : index
    %get3A_18 = tpu.vector_load %arg6[%get3A_17] {strides = array<i32>} : memref<256xi32, #tpu.memory_space<vmem>>, vector<16xi32>,
    %get3A_19 = arith.constant 96 : index
    %get3A_20 = tpu.vector_load %arg6[%get3A_19] {strides = array<i32>} : memref<256xi32, #tpu.memory_space<vmem>>, vector<16xi32>,
    %get3A_21 = arith.constant 112 : index
    %get3A_22 = tpu.vector_load %arg6[%get3A_21] {strides = array<i32>} : memref<256xi32, #tpu.memory_space<vmem>>, vector<16xi32>,
    %get3A_23 = arith.constant 128 : index
    %get3A_24 = tpu.vector_load %arg6[%get3A_23] {strides = array<i32>} : memref<256xi32, #tpu.memory_space<vmem>>, vector<16xi32>,
    %get3A_25 = arith.constant 144 : index
    %get3A_26 = tpu.vector_load %arg6[%get3A_25] {strides = array<i32>} : memref<256xi32, #tpu.memory_space<vmem>>, vector<16xi32>,
    %get3A_27 = arith.constant 160 : index
    %get3A_28 = tpu.vector_load %arg6[%get3A_27] {strides = array<i32>} : memref<256xi32, #tpu.memory_space<vmem>>, vector<16xi32>,
    %get3A_29 = arith.constant 176 : index
    %get3A_30 = tpu.vector_load %arg6[%get3A_29] {strides = array<i32>} : memref<256xi32, #tpu.memory_space<vmem>>, vector<16xi32>,
    %get3A_31 = arith.constant 192 : index
    %get3A_32 = tpu.vector_load %arg6[%get3A_31] {strides = array<i32>} : memref<256xi32, #tpu.memory_space<vmem>>, vector<16xi32>,
    %get3A_33 = arith.constant 208 : index
    %get3A_34 = tpu.vector_load %arg6[%get3A_33] {strides = array<i32>} : memref<256xi32, #tpu.memory_space<vmem>>, vector<16xi32>,
    %get3A_35 = arith.constant 224 : index
    %get3A_36 = tpu.vector_load %arg6[%get3A_35] {strides = array<i32>} : memref<256xi32, #tpu.memory_space<vmem>>, vector<16xi32>,
    %get3A_37 = arith.constant 240 : index
    %get3A_38 = tpu.vector_load %arg6[%get3A_37] {strides = array<i32>} : memref<256xi32, #tpu.memory_space<vmem>>, vector<16xi32>,
    %get3A_39 = arith.constant 0 : index
    %get3A_40 = tpu.vector_load %arg7[%get3A_39] {strides = array<i32>} : memref<256xf32, #tpu.memory_space<vmem>>, vector<16xf32>,
    %get3A_41 = arith.constant 16 : index
    %get3A_42 = tpu.vector_load %arg7[%get3A_41] {strides = array<i32>} : memref<256xf32, #tpu.memory_space<vmem>>, vector<16xf32>,
    %get3A_43 = arith.constant 32 : index
    %get3A_44 = tpu.vector_load %arg7[%get3A_43] {strides = array<i32>} : memref<256xf32, #tpu.memory_space<vmem>>, vector<16xf32>,
    %get3A_45 = arith.constant 48 : index
    %get3A_46 = tpu.vector_load %arg7[%get3A_45] {strides = array<i32>} : memref<256xf32, #tpu.memory_space<vmem>>, vector<16xf32>,
    %get3A_47 = arith.constant 64 : index
    %get3A_48 = tpu.vector_load %arg7[%get3A_47] {strides = array<i32>} : memref<256xf32, #tpu.memory_space<vmem>>, vector<16xf32>,
    %get3A_49 = arith.constant 80 : index
    %get3A_50 = tpu.vector_load %arg7[%get3A_49] {strides = array<i32>} : memref<256xf32, #tpu.memory_space<vmem>>, vector<16xf32>,
    %get3A_51 = arith.constant 96 : index
    %get3A_52 = tpu.vector_load %arg7[%get3A_51] {strides = array<i32>} : memref<256xf32, #tpu.memory_space<vmem>>, vector<16xf32>,
    %get3A_53 = arith.constant 112 : index
    %get3A_54 = tpu.vector_load %arg7[%get3A_53] {strides = array<i32>} : memref<256xf32, #tpu.memory_space<vmem>>, vector<16xf32>,
    %get3A_55 = arith.constant 128 : index
    %get3A_56 = tpu.vector_load %arg7[%get3A_55] {strides = array<i32>} : memref<256xf32, #tpu.memory_space<vmem>>, vector<16xf32>,
    %get3A_57 = arith.constant 144 : index
    %get3A_58 = tpu.vector_load %arg7[%get3A_57] {strides = array<i32>} : memref<256xf32, #tpu.memory_space<vmem>>, vector<16xf32>,
    %get3A_59 = arith.constant 160 : index
    %get3A_60 = tpu.vector_load %arg7[%get3A_59] {strides = array<i32>} : memref<256xf32, #tpu.memory_space<vmem>>, vector<16xf32>,
    %get3A_61 = arith.constant 176 : index
    %get3A_62 = tpu.vector_load %arg7[%get3A_61] {strides = array<i32>} : memref<256xf32, #tpu.memory_space<vmem>>, vector<16xf32>,
    %get3A_63 = arith.constant 192 : index
    %get3A_64 = tpu.vector_load %arg7[%get3A_63] {strides = array<i32>} : memref<256xf32, #tpu.memory_space<vmem>>, vector<16xf32>,
    %get3A_65 = arith.constant 208 : index
    %get3A_66 = tpu.vector_load %arg7[%get3A_65] {strides = array<i32>} : memref<256xf32, #tpu.memory_space<vmem>>, vector<16xf32>,
    %get3A_67 = arith.constant 224 : index
    %get3A_68 = tpu.vector_load %arg7[%get3A_67] {strides = array<i32>} : memref<256xf32, #tpu.memory_space<vmem>>, vector<16xf32>,
    %get3A_69 = arith.constant 240 : index
    %get3A_70 = tpu.vector_load %arg7[%get3A_69] {strides = array<i32>} : memref<256xf32, #tpu.memory_space<vmem>>, vector<16xf32>,
    %dma_start3A = arith.constant 0 : i32
    %dma_start3A_71 = tpu.memref_slice %arg2[%add3A_4, %dma_start3A] : memref<16384x256xf32, #tpu.memory_space<hbm>> -> memref<32x256xf32, #tpu.memory_space<hbm>>
    %dma_start3A_72 = arith.constant 0 : i32
    %dma_start3A_73 = tpu.memref_slice %arg2[%add3A_4, %dma_start3A_72] : memref<16384x256xf32, #tpu.memory_space<hbm>> -> memref<32x256xf32, #tpu.memory_space<hbm>>
    tpu.enqueue_dma source(%dma_start3A_73 : memref<32x256xf32, #tpu.memory_space<hbm>>) target(%arg8 : memref<32x256xf32, #tpu.memory_space<vmem>>) target_semaphore(%arg12 : memref<!tpu.dma_semaphore, #tpu.memory_space<semaphore_mem>>)
    %scan3A = arith.constant 0 : i32
    %scan3A_74 = arith.constant 0 : i32
    %mul3A_75 = arith.constant 2 : i32
    %mul3A_76 = arith.muli %mul3A_75, %scan3A_74 : i32
    %mul3A_77 = arith.constant 32 : i32
    %mul3A_78 = arith.muli %mul3A_76, %mul3A_77 : i32
    %add3A_79 = arith.addi %add3A_4, %mul3A_78 : i32
    %add3A_80 = arith.constant 32 : i32
    %add3A_81 = arith.addi %add3A_79, %add3A_80 : i32
    %mul3A_82 = arith.constant 2 : i32
    %mul3A_83 = arith.muli %mul3A_82, %scan3A_74 : i32
    %mul3A_84 = arith.constant 32 : i32
    %mul3A_85 = arith.muli %mul3A_83, %mul3A_84 : i32
    %add3A_86 = arith.addi %mul3A_2, %mul3A_85 : i32
    %add3A_87 = arith.constant 32 : i32
    %add3A_88 = arith.addi %add3A_86, %add3A_87 : i32
    %dma_start3A_89 = arith.constant 0 : i32
    %dma_start3A_90 = tpu.memref_slice %arg2[%add3A_81, %dma_start3A_89] : memref<16384x256xf32, #tpu.memory_space<hbm>> -> memref<32x256xf32, #tpu.memory_space<hbm>>
    %dma_start3A_91 = arith.constant 0 : i32
    %dma_start3A_92 = tpu.memref_slice %arg2[%add3A_81, %dma_start3A_91] : memref<16384x256xf32, #tpu.memory_space<hbm>> -> memref<32x256xf32, #tpu.memory_space<hbm>>
    tpu.enqueue_dma source(%dma_start3A_92 : memref<32x256xf32, #tpu.memory_space<hbm>>) target(%arg9 : memref<32x256xf32, #tpu.memory_space<vmem>>) target_semaphore(%arg13 : memref<!tpu.dma_semaphore, #tpu.memory_space<semaphore_mem>>)
    %dma_wait3A = arith.constant 0 : i32
    %dma_wait3A_93 = arith.constant 0 : i32
    %dma_wait3A_94 = tpu.memref_slice %arg2[%dma_wait3A, %dma_wait3A_93] : memref<16384x256xf32, #tpu.memory_space<hbm>> -> memref<32x256xf32, #tpu.memory_space<hbm>>
    %dma_wait3A_95 = arith.constant 0 : i32
    %dma_wait3A_96 = arith.constant 0 : i32
    %dma_wait3A_97 = tpu.memref_slice %arg2[%dma_wait3A_95, %dma_wait3A_96] : memref<16384x256xf32, #tpu.memory_space<hbm>> -> memref<32x256xf32, #tpu.memory_space<hbm>>
    tpu.wait_dma2 semaphore(%arg12 : memref<!tpu.dma_semaphore, #tpu.memory_space<semaphore_mem>>) src(%dma_wait3A_97 : memref<32x256xf32, #tpu.memory_space<hbm>>) dst(%arg8 : memref<32x256xf32, #tpu.memory_space<vmem>>)
    %gt3A = arith.constant 0 : i32
    %gt3A_98 = arith.cmpi sgt, %scan3A_74, %gt3A : i32
    %convert_element_type3A = arith.extui %gt3A_98 : i1 to i32
    %cond3A = arith.constant 0 : i32
    %cond3A_99 = arith.cmpi ne, %convert_element_type3A, %cond3A : i32
    scf.if %cond3A_99 {
      %dma_wait3A_150 = arith.constant 0 : i32
      %dma_wait3A_151 = arith.constant 0 : i32
      %dma_wait3A_152 = tpu.memref_slice %arg5[%dma_wait3A_150, %dma_wait3A_151] : memref<1024x256xf32, #tpu.memory_space<hbm>> -> memref<32x256xf32, #tpu.memory_space<hbm>>
      %dma_wait3A_153 = arith.constant 0 : i32
      %dma_wait3A_154 = arith.constant 0 : i32
      %dma_wait3A_155 = tpu.memref_slice %arg5[%dma_wait3A_153, %dma_wait3A_154] : memref<1024x256xf32, #tpu.memory_space<hbm>> -> memref<32x256xf32, #tpu.memory_space<hbm>>
      tpu.wait_dma2 semaphore(%arg14 : memref<!tpu.dma_semaphore, #tpu.memory_space<semaphore_mem>>) src(%arg10 : memref<32x256xf32, #tpu.memory_space<vmem>>) dst(%dma_wait3A_155 : memref<32x256xf32, #tpu.memory_space<hbm>>)
    } else {
    }
    %parallel_loop3A = arith.constant 0 : i32
    %parallel_loop3A_100 = arith.constant 32 : i32
    %parallel_loop3A_101 = arith.constant 1 : i32
    scf.for %parallel_loop3A_150 = %parallel_loop3A to %parallel_loop3A_100 step %parallel_loop3A_101  : i32 {
      %parallel_loop3A_151 = vector.broadcast %parallel_loop3A_150 : i32 to vector<16xi32>
      %parallel_loop3A_152 = tpu.vector_load_idx %arg8[%parallel_loop3A_151, %get3A_8] : memref<32x256xf32, #tpu.memory_space<vmem>>[vector<16xi32>, vector<16xi32>], vector<16xf32>,
      %parallel_loop3A_153 = arith.mulf %parallel_loop3A_152, %get3A_40 : vector<16xf32>
      %parallel_loop3A_154 = arith.index_cast %parallel_loop3A_150 : i32 to index
      %parallel_loop3A_155 = arith.constant 0 : index
      %parallel_loop3A_156 = tpu.vector_load %arg10[%parallel_loop3A_154, %parallel_loop3A_155] {strides = array<i32>} : memref<32x256xf32, #tpu.memory_space<vmem>>, vector<16xf32>,
      tpu.vector_store %arg10[%parallel_loop3A_154, %parallel_loop3A_155], %parallel_loop3A_153 {strides = array<i32>} : memref<32x256xf32, #tpu.memory_space<vmem>>, vector<16xf32>,
      %parallel_loop3A_157 = tpu.vector_load_idx %arg8[%parallel_loop3A_151, %get3A_10] : memref<32x256xf32, #tpu.memory_space<vmem>>[vector<16xi32>, vector<16xi32>], vector<16xf32>,
      %parallel_loop3A_158 = arith.mulf %parallel_loop3A_157, %get3A_42 : vector<16xf32>
      %parallel_loop3A_159 = arith.index_cast %parallel_loop3A_150 : i32 to index
      %parallel_loop3A_160 = arith.constant 16 : index
      %parallel_loop3A_161 = tpu.vector_load %arg10[%parallel_loop3A_159, %parallel_loop3A_160] {strides = array<i32>} : memref<32x256xf32, #tpu.memory_space<vmem>>, vector<16xf32>,
      tpu.vector_store %arg10[%parallel_loop3A_159, %parallel_loop3A_160], %parallel_loop3A_158 {strides = array<i32>} : memref<32x256xf32, #tpu.memory_space<vmem>>, vector<16xf32>,
      %parallel_loop3A_162 = tpu.vector_load_idx %arg8[%parallel_loop3A_151, %get3A_12] : memref<32x256xf32, #tpu.memory_space<vmem>>[vector<16xi32>, vector<16xi32>], vector<16xf32>,
      %parallel_loop3A_163 = arith.mulf %parallel_loop3A_162, %get3A_44 : vector<16xf32>
      %parallel_loop3A_164 = arith.index_cast %parallel_loop3A_150 : i32 to index
      %parallel_loop3A_165 = arith.constant 32 : index
      %parallel_loop3A_166 = tpu.vector_load %arg10[%parallel_loop3A_164, %parallel_loop3A_165] {strides = array<i32>} : memref<32x256xf32, #tpu.memory_space<vmem>>, vector<16xf32>,
      tpu.vector_store %arg10[%parallel_loop3A_164, %parallel_loop3A_165], %parallel_loop3A_163 {strides = array<i32>} : memref<32x256xf32, #tpu.memory_space<vmem>>, vector<16xf32>,
      %parallel_loop3A_167 = tpu.vector_load_idx %arg8[%parallel_loop3A_151, %get3A_14] : memref<32x256xf32, #tpu.memory_space<vmem>>[vector<16xi32>, vector<16xi32>], vector<16xf32>,
      %parallel_loop3A_168 = arith.mulf %parallel_loop3A_167, %get3A_46 : vector<16xf32>
      %parallel_loop3A_169 = arith.index_cast %parallel_loop3A_150 : i32 to index
      %parallel_loop3A_170 = arith.constant 48 : index
      %parallel_loop3A_171 = tpu.vector_load %arg10[%parallel_loop3A_169, %parallel_loop3A_170] {strides = array<i32>} : memref<32x256xf32, #tpu.memory_space<vmem>>, vector<16xf32>,
      tpu.vector_store %arg10[%parallel_loop3A_169, %parallel_loop3A_170], %parallel_loop3A_168 {strides = array<i32>} : memref<32x256xf32, #tpu.memory_space<vmem>>, vector<16xf32>,
      %parallel_loop3A_172 = tpu.vector_load_idx %arg8[%parallel_loop3A_151, %get3A_16] : memref<32x256xf32, #tpu.memory_space<vmem>>[vector<16xi32>, vector<16xi32>], vector<16xf32>,
      %parallel_loop3A_173 = arith.mulf %parallel_loop3A_172, %get3A_48 : vector<16xf32>
      %parallel_loop3A_174 = arith.index_cast %parallel_loop3A_150 : i32 to index
      %parallel_loop3A_175 = arith.constant 64 : index
      %parallel_loop3A_176 = tpu.vector_load %arg10[%parallel_loop3A_174, %parallel_loop3A_175] {strides = array<i32>} : memref<32x256xf32, #tpu.memory_space<vmem>>, vector<16xf32>,
      tpu.vector_store %arg10[%parallel_loop3A_174, %parallel_loop3A_175], %parallel_loop3A_173 {strides = array<i32>} : memref<32x256xf32, #tpu.memory_space<vmem>>, vector<16xf32>,
      %parallel_loop3A_177 = tpu.vector_load_idx %arg8[%parallel_loop3A_151, %get3A_18] : memref<32x256xf32, #tpu.memory_space<vmem>>[vector<16xi32>, vector<16xi32>], vector<16xf32>,
      %parallel_loop3A_178 = arith.mulf %parallel_loop3A_177, %get3A_50 : vector<16xf32>
      %parallel_loop3A_179 = arith.index_cast %parallel_loop3A_150 : i32 to index
      %parallel_loop3A_180 = arith.constant 80 : index
      %parallel_loop3A_181 = tpu.vector_load %arg10[%parallel_loop3A_179, %parallel_loop3A_180] {strides = array<i32>} : memref<32x256xf32, #tpu.memory_space<vmem>>, vector<16xf32>,
      tpu.vector_store %arg10[%parallel_loop3A_179, %parallel_loop3A_180], %parallel_loop3A_178 {strides = array<i32>} : memref<32x256xf32, #tpu.memory_space<vmem>>, vector<16xf32>,
      %parallel_loop3A_182 = tpu.vector_load_idx %arg8[%parallel_loop3A_151, %get3A_20] : memref<32x256xf32, #tpu.memory_space<vmem>>[vector<16xi32>, vector<16xi32>], vector<16xf32>,
      %parallel_loop3A_183 = arith.mulf %parallel_loop3A_182, %get3A_52 : vector<16xf32>
      %parallel_loop3A_184 = arith.index_cast %parallel_loop3A_150 : i32 to index
      %parallel_loop3A_185 = arith.constant 96 : index
      %parallel_loop3A_186 = tpu.vector_load %arg10[%parallel_loop3A_184, %parallel_loop3A_185] {strides = array<i32>} : memref<32x256xf32, #tpu.memory_space<vmem>>, vector<16xf32>,
      tpu.vector_store %arg10[%parallel_loop3A_184, %parallel_loop3A_185], %parallel_loop3A_183 {strides = array<i32>} : memref<32x256xf32, #tpu.memory_space<vmem>>, vector<16xf32>,
      %parallel_loop3A_187 = tpu.vector_load_idx %arg8[%parallel_loop3A_151, %get3A_22] : memref<32x256xf32, #tpu.memory_space<vmem>>[vector<16xi32>, vector<16xi32>], vector<16xf32>,
      %parallel_loop3A_188 = arith.mulf %parallel_loop3A_187, %get3A_54 : vector<16xf32>
      %parallel_loop3A_189 = arith.index_cast %parallel_loop3A_150 : i32 to index
      %parallel_loop3A_190 = arith.constant 112 : index
      %parallel_loop3A_191 = tpu.vector_load %arg10[%parallel_loop3A_189, %parallel_loop3A_190] {strides = array<i32>} : memref<32x256xf32, #tpu.memory_space<vmem>>, vector<16xf32>,
      tpu.vector_store %arg10[%parallel_loop3A_189, %parallel_loop3A_190], %parallel_loop3A_188 {strides = array<i32>} : memref<32x256xf32, #tpu.memory_space<vmem>>, vector<16xf32>,
      %parallel_loop3A_192 = tpu.vector_load_idx %arg8[%parallel_loop3A_151, %get3A_24] : memref<32x256xf32, #tpu.memory_space<vmem>>[vector<16xi32>, vector<16xi32>], vector<16xf32>,
      %parallel_loop3A_193 = arith.mulf %parallel_loop3A_192, %get3A_56 : vector<16xf32>
      %parallel_loop3A_194 = arith.index_cast %parallel_loop3A_150 : i32 to index
      %parallel_loop3A_195 = arith.constant 128 : index
      %parallel_loop3A_196 = tpu.vector_load %arg10[%parallel_loop3A_194, %parallel_loop3A_195] {strides = array<i32>} : memref<32x256xf32, #tpu.memory_space<vmem>>, vector<16xf32>,
      tpu.vector_store %arg10[%parallel_loop3A_194, %parallel_loop3A_195], %parallel_loop3A_193 {strides = array<i32>} : memref<32x256xf32, #tpu.memory_space<vmem>>, vector<16xf32>,
      %parallel_loop3A_197 = tpu.vector_load_idx %arg8[%parallel_loop3A_151, %get3A_26] : memref<32x256xf32, #tpu.memory_space<vmem>>[vector<16xi32>, vector<16xi32>], vector<16xf32>,
      %parallel_loop3A_198 = arith.mulf %parallel_loop3A_197, %get3A_58 : vector<16xf32>
      %parallel_loop3A_199 = arith.index_cast %parallel_loop3A_150 : i32 to index
      %parallel_loop3A_200 = arith.constant 144 : index
      %parallel_loop3A_201 = tpu.vector_load %arg10[%parallel_loop3A_199, %parallel_loop3A_200] {strides = array<i32>} : memref<32x256xf32, #tpu.memory_space<vmem>>, vector<16xf32>,
      tpu.vector_store %arg10[%parallel_loop3A_199, %parallel_loop3A_200], %parallel_loop3A_198 {strides = array<i32>} : memref<32x256xf32, #tpu.memory_space<vmem>>, vector<16xf32>,
      %parallel_loop3A_202 = tpu.vector_load_idx %arg8[%parallel_loop3A_151, %get3A_28] : memref<32x256xf32, #tpu.memory_space<vmem>>[vector<16xi32>, vector<16xi32>], vector<16xf32>,
      %parallel_loop3A_203 = arith.mulf %parallel_loop3A_202, %get3A_60 : vector<16xf32>
      %parallel_loop3A_204 = arith.index_cast %parallel_loop3A_150 : i32 to index
      %parallel_loop3A_205 = arith.constant 160 : index
      %parallel_loop3A_206 = tpu.vector_load %arg10[%parallel_loop3A_204, %parallel_loop3A_205] {strides = array<i32>} : memref<32x256xf32, #tpu.memory_space<vmem>>, vector<16xf32>,
      tpu.vector_store %arg10[%parallel_loop3A_204, %parallel_loop3A_205], %parallel_loop3A_203 {strides = array<i32>} : memref<32x256xf32, #tpu.memory_space<vmem>>, vector<16xf32>,
      %parallel_loop3A_207 = tpu.vector_load_idx %arg8[%parallel_loop3A_151, %get3A_30] : memref<32x256xf32, #tpu.memory_space<vmem>>[vector<16xi32>, vector<16xi32>], vector<16xf32>,
      %parallel_loop3A_208 = arith.mulf %parallel_loop3A_207, %get3A_62 : vector<16xf32>
      %parallel_loop3A_209 = arith.index_cast %parallel_loop3A_150 : i32 to index
      %parallel_loop3A_210 = arith.constant 176 : index
      %parallel_loop3A_211 = tpu.vector_load %arg10[%parallel_loop3A_209, %parallel_loop3A_210] {strides = array<i32>} : memref<32x256xf32, #tpu.memory_space<vmem>>, vector<16xf32>,
      tpu.vector_store %arg10[%parallel_loop3A_209, %parallel_loop3A_210], %parallel_loop3A_208 {strides = array<i32>} : memref<32x256xf32, #tpu.memory_space<vmem>>, vector<16xf32>,
      %parallel_loop3A_212 = tpu.vector_load_idx %arg8[%parallel_loop3A_151, %get3A_32] : memref<32x256xf32, #tpu.memory_space<vmem>>[vector<16xi32>, vector<16xi32>], vector<16xf32>,
      %parallel_loop3A_213 = arith.mulf %parallel_loop3A_212, %get3A_64 : vector<16xf32>
      %parallel_loop3A_214 = arith.index_cast %parallel_loop3A_150 : i32 to index
      %parallel_loop3A_215 = arith.constant 192 : index
      %parallel_loop3A_216 = tpu.vector_load %arg10[%parallel_loop3A_214, %parallel_loop3A_215] {strides = array<i32>} : memref<32x256xf32, #tpu.memory_space<vmem>>, vector<16xf32>,
      tpu.vector_store %arg10[%parallel_loop3A_214, %parallel_loop3A_215], %parallel_loop3A_213 {strides = array<i32>} : memref<32x256xf32, #tpu.memory_space<vmem>>, vector<16xf32>,
      %parallel_loop3A_217 = tpu.vector_load_idx %arg8[%parallel_loop3A_151, %get3A_34] : memref<32x256xf32, #tpu.memory_space<vmem>>[vector<16xi32>, vector<16xi32>], vector<16xf32>,
      %parallel_loop3A_218 = arith.mulf %parallel_loop3A_217, %get3A_66 : vector<16xf32>
      %parallel_loop3A_219 = arith.index_cast %parallel_loop3A_150 : i32 to index
      %parallel_loop3A_220 = arith.constant 208 : index
      %parallel_loop3A_221 = tpu.vector_load %arg10[%parallel_loop3A_219, %parallel_loop3A_220] {strides = array<i32>} : memref<32x256xf32, #tpu.memory_space<vmem>>, vector<16xf32>,
      tpu.vector_store %arg10[%parallel_loop3A_219, %parallel_loop3A_220], %parallel_loop3A_218 {strides = array<i32>} : memref<32x256xf32, #tpu.memory_space<vmem>>, vector<16xf32>,
      %parallel_loop3A_222 = tpu.vector_load_idx %arg8[%parallel_loop3A_151, %get3A_36] : memref<32x256xf32, #tpu.memory_space<vmem>>[vector<16xi32>, vector<16xi32>], vector<16xf32>,
      %parallel_loop3A_223 = arith.mulf %parallel_loop3A_222, %get3A_68 : vector<16xf32>
      %parallel_loop3A_224 = arith.index_cast %parallel_loop3A_150 : i32 to index
      %parallel_loop3A_225 = arith.constant 224 : index
      %parallel_loop3A_226 = tpu.vector_load %arg10[%parallel_loop3A_224, %parallel_loop3A_225] {strides = array<i32>} : memref<32x256xf32, #tpu.memory_space<vmem>>, vector<16xf32>,
      tpu.vector_store %arg10[%parallel_loop3A_224, %parallel_loop3A_225], %parallel_loop3A_223 {strides = array<i32>} : memref<32x256xf32, #tpu.memory_space<vmem>>, vector<16xf32>,
      %parallel_loop3A_227 = tpu.vector_load_idx %arg8[%parallel_loop3A_151, %get3A_38] : memref<32x256xf32, #tpu.memory_space<vmem>>[vector<16xi32>, vector<16xi32>], vector<16xf32>,
      %parallel_loop3A_228 = arith.mulf %parallel_loop3A_227, %get3A_70 : vector<16xf32>
      %parallel_loop3A_229 = arith.index_cast %parallel_loop3A_150 : i32 to index
      %parallel_loop3A_230 = arith.constant 240 : index
      %parallel_loop3A_231 = tpu.vector_load %arg10[%parallel_loop3A_229, %parallel_loop3A_230] {strides = array<i32>} : memref<32x256xf32, #tpu.memory_space<vmem>>, vector<16xf32>,
      tpu.vector_store %arg10[%parallel_loop3A_229, %parallel_loop3A_230], %parallel_loop3A_228 {strides = array<i32>} : memref<32x256xf32, #tpu.memory_space<vmem>>, vector<16xf32>,
    } {sc.loop_unroll_factor = 1 : i64, sc.parallel_access}
    %dma_start3A_102 = arith.constant 0 : i32
    %dma_start3A_103 = tpu.memref_slice %arg5[%add3A_86, %dma_start3A_102] : memref<1024x256xf32, #tpu.memory_space<hbm>> -> memref<32x256xf32, #tpu.memory_space<hbm>>
    %dma_start3A_104 = arith.constant 0 : i32
    %dma_start3A_105 = tpu.memref_slice %arg5[%add3A_86, %dma_start3A_104] : memref<1024x256xf32, #tpu.memory_space<hbm>> -> memref<32x256xf32, #tpu.memory_space<hbm>>
    tpu.enqueue_dma source(%arg10 : memref<32x256xf32, #tpu.memory_space<vmem>>) target(%dma_start3A_105 : memref<32x256xf32, #tpu.memory_space<hbm>>) target_semaphore(%arg14 : memref<!tpu.dma_semaphore, #tpu.memory_space<semaphore_mem>>)
    %add3A_106 = arith.constant 32 : i32
    %add3A_107 = arith.addi %add3A_81, %add3A_106 : i32
    %min3A = arith.minsi %add3A_107, %sub3A_7 : i32
    %dma_start3A_108 = arith.constant 0 : i32
    %dma_start3A_109 = tpu.memref_slice %arg2[%min3A, %dma_start3A_108] : memref<16384x256xf32, #tpu.memory_space<hbm>> -> memref<32x256xf32, #tpu.memory_space<hbm>>
    %dma_start3A_110 = arith.constant 0 : i32
    %dma_start3A_111 = tpu.memref_slice %arg2[%min3A, %dma_start3A_110] : memref<16384x256xf32, #tpu.memory_space<hbm>> -> memref<32x256xf32, #tpu.memory_space<hbm>>
    tpu.enqueue_dma source(%dma_start3A_111 : memref<32x256xf32, #tpu.memory_space<hbm>>) target(%arg8 : memref<32x256xf32, #tpu.memory_space<vmem>>) target_semaphore(%arg12 : memref<!tpu.dma_semaphore, #tpu.memory_space<semaphore_mem>>)
    %dma_wait3A_112 = arith.constant 0 : i32
    %dma_wait3A_113 = arith.constant 0 : i32
    %dma_wait3A_114 = tpu.memref_slice %arg2[%dma_wait3A_112, %dma_wait3A_113] : memref<16384x256xf32, #tpu.memory_space<hbm>> -> memref<32x256xf32, #tpu.memory_space<hbm>>
    %dma_wait3A_115 = arith.constant 0 : i32
    %dma_wait3A_116 = arith.constant 0 : i32
    %dma_wait3A_117 = tpu.memref_slice %arg2[%dma_wait3A_115, %dma_wait3A_116] : memref<16384x256xf32, #tpu.memory_space<hbm>> -> memref<32x256xf32, #tpu.memory_space<hbm>>
    tpu.wait_dma2 semaphore(%arg13 : memref<!tpu.dma_semaphore, #tpu.memory_space<semaphore_mem>>) src(%dma_wait3A_117 : memref<32x256xf32, #tpu.memory_space<hbm>>) dst(%arg9 : memref<32x256xf32, #tpu.memory_space<vmem>>)
    %gt3A_118 = arith.constant 0 : i32
    %gt3A_119 = arith.cmpi sgt, %scan3A_74, %gt3A_118 : i32
    %convert_element_type3A_120 = arith.extui %gt3A_119 : i1 to i32
    %cond3A_121 = arith.constant 0 : i32
    %cond3A_122 = arith.cmpi ne, %convert_element_type3A_120, %cond3A_121 : i32
    scf.if %cond3A_122 {
      %dma_wait3A_150 = arith.constant 0 : i32
      %dma_wait3A_151 = arith.constant 0 : i32
      %dma_wait3A_152 = tpu.memref_slice %arg5[%dma_wait3A_150, %dma_wait3A_151] : memref<1024x256xf32, #tpu.memory_space<hbm>> -> memref<32x256xf32, #tpu.memory_space<hbm>>
      %dma_wait3A_153 = arith.constant 0 : i32
      %dma_wait3A_154 = arith.constant 0 : i32
      %dma_wait3A_155 = tpu.memref_slice %arg5[%dma_wait3A_153, %dma_wait3A_154] : memref<1024x256xf32, #tpu.memory_space<hbm>> -> memref<32x256xf32, #tpu.memory_space<hbm>>
      tpu.wait_dma2 semaphore(%arg15 : memref<!tpu.dma_semaphore, #tpu.memory_space<semaphore_mem>>) src(%arg11 : memref<32x256xf32, #tpu.memory_space<vmem>>) dst(%dma_wait3A_155 : memref<32x256xf32, #tpu.memory_space<hbm>>)
    } else {
    }
    %parallel_loop3A_123 = arith.constant 0 : i32
    %parallel_loop3A_124 = arith.constant 32 : i32
    %parallel_loop3A_125 = arith.constant 1 : i32
    scf.for %parallel_loop3A_150 = %parallel_loop3A_123 to %parallel_loop3A_124 step %parallel_loop3A_125  : i32 {
      %parallel_loop3A_151 = vector.broadcast %parallel_loop3A_150 : i32 to vector<16xi32>
      %parallel_loop3A_152 = tpu.vector_load_idx %arg9[%parallel_loop3A_151, %get3A_8] : memref<32x256xf32, #tpu.memory_space<vmem>>[vector<16xi32>, vector<16xi32>], vector<16xf32>,
      %parallel_loop3A_153 = arith.mulf %parallel_loop3A_152, %get3A_40 : vector<16xf32>
      %parallel_loop3A_154 = arith.index_cast %parallel_loop3A_150 : i32 to index
      %parallel_loop3A_155 = arith.constant 0 : index
      %parallel_loop3A_156 = tpu.vector_load %arg11[%parallel_loop3A_154, %parallel_loop3A_155] {strides = array<i32>} : memref<32x256xf32, #tpu.memory_space<vmem>>, vector<16xf32>,
      tpu.vector_store %arg11[%parallel_loop3A_154, %parallel_loop3A_155], %parallel_loop3A_153 {strides = array<i32>} : memref<32x256xf32, #tpu.memory_space<vmem>>, vector<16xf32>,
      %parallel_loop3A_157 = tpu.vector_load_idx %arg9[%parallel_loop3A_151, %get3A_10] : memref<32x256xf32, #tpu.memory_space<vmem>>[vector<16xi32>, vector<16xi32>], vector<16xf32>,
      %parallel_loop3A_158 = arith.mulf %parallel_loop3A_157, %get3A_42 : vector<16xf32>
      %parallel_loop3A_159 = arith.index_cast %parallel_loop3A_150 : i32 to index
      %parallel_loop3A_160 = arith.constant 16 : index
      %parallel_loop3A_161 = tpu.vector_load %arg11[%parallel_loop3A_159, %parallel_loop3A_160] {strides = array<i32>} : memref<32x256xf32, #tpu.memory_space<vmem>>, vector<16xf32>,
      tpu.vector_store %arg11[%parallel_loop3A_159, %parallel_loop3A_160], %parallel_loop3A_158 {strides = array<i32>} : memref<32x256xf32, #tpu.memory_space<vmem>>, vector<16xf32>,
      %parallel_loop3A_162 = tpu.vector_load_idx %arg9[%parallel_loop3A_151, %get3A_12] : memref<32x256xf32, #tpu.memory_space<vmem>>[vector<16xi32>, vector<16xi32>], vector<16xf32>,
      %parallel_loop3A_163 = arith.mulf %parallel_loop3A_162, %get3A_44 : vector<16xf32>
      %parallel_loop3A_164 = arith.index_cast %parallel_loop3A_150 : i32 to index
      %parallel_loop3A_165 = arith.constant 32 : index
      %parallel_loop3A_166 = tpu.vector_load %arg11[%parallel_loop3A_164, %parallel_loop3A_165] {strides = array<i32>} : memref<32x256xf32, #tpu.memory_space<vmem>>, vector<16xf32>,
      tpu.vector_store %arg11[%parallel_loop3A_164, %parallel_loop3A_165], %parallel_loop3A_163 {strides = array<i32>} : memref<32x256xf32, #tpu.memory_space<vmem>>, vector<16xf32>,
      %parallel_loop3A_167 = tpu.vector_load_idx %arg9[%parallel_loop3A_151, %get3A_14] : memref<32x256xf32, #tpu.memory_space<vmem>>[vector<16xi32>, vector<16xi32>], vector<16xf32>,
      %parallel_loop3A_168 = arith.mulf %parallel_loop3A_167, %get3A_46 : vector<16xf32>
      %parallel_loop3A_169 = arith.index_cast %parallel_loop3A_150 : i32 to index
      %parallel_loop3A_170 = arith.constant 48 : index
      %parallel_loop3A_171 = tpu.vector_load %arg11[%parallel_loop3A_169, %parallel_loop3A_170] {strides = array<i32>} : memref<32x256xf32, #tpu.memory_space<vmem>>, vector<16xf32>,
      tpu.vector_store %arg11[%parallel_loop3A_169, %parallel_loop3A_170], %parallel_loop3A_168 {strides = array<i32>} : memref<32x256xf32, #tpu.memory_space<vmem>>, vector<16xf32>,
      %parallel_loop3A_172 = tpu.vector_load_idx %arg9[%parallel_loop3A_151, %get3A_16] : memref<32x256xf32, #tpu.memory_space<vmem>>[vector<16xi32>, vector<16xi32>], vector<16xf32>,
      %parallel_loop3A_173 = arith.mulf %parallel_loop3A_172, %get3A_48 : vector<16xf32>
      %parallel_loop3A_174 = arith.index_cast %parallel_loop3A_150 : i32 to index
      %parallel_loop3A_175 = arith.constant 64 : index
      %parallel_loop3A_176 = tpu.vector_load %arg11[%parallel_loop3A_174, %parallel_loop3A_175] {strides = array<i32>} : memref<32x256xf32, #tpu.memory_space<vmem>>, vector<16xf32>,
      tpu.vector_store %arg11[%parallel_loop3A_174, %parallel_loop3A_175], %parallel_loop3A_173 {strides = array<i32>} : memref<32x256xf32, #tpu.memory_space<vmem>>, vector<16xf32>,
      %parallel_loop3A_177 = tpu.vector_load_idx %arg9[%parallel_loop3A_151, %get3A_18] : memref<32x256xf32, #tpu.memory_space<vmem>>[vector<16xi32>, vector<16xi32>], vector<16xf32>,
      %parallel_loop3A_178 = arith.mulf %parallel_loop3A_177, %get3A_50 : vector<16xf32>
      %parallel_loop3A_179 = arith.index_cast %parallel_loop3A_150 : i32 to index
      %parallel_loop3A_180 = arith.constant 80 : index
      %parallel_loop3A_181 = tpu.vector_load %arg11[%parallel_loop3A_179, %parallel_loop3A_180] {strides = array<i32>} : memref<32x256xf32, #tpu.memory_space<vmem>>, vector<16xf32>,
      tpu.vector_store %arg11[%parallel_loop3A_179, %parallel_loop3A_180], %parallel_loop3A_178 {strides = array<i32>} : memref<32x256xf32, #tpu.memory_space<vmem>>, vector<16xf32>,
      %parallel_loop3A_182 = tpu.vector_load_idx %arg9[%parallel_loop3A_151, %get3A_20] : memref<32x256xf32, #tpu.memory_space<vmem>>[vector<16xi32>, vector<16xi32>], vector<16xf32>,
      %parallel_loop3A_183 = arith.mulf %parallel_loop3A_182, %get3A_52 : vector<16xf32>
      %parallel_loop3A_184 = arith.index_cast %parallel_loop3A_150 : i32 to index
      %parallel_loop3A_185 = arith.constant 96 : index
      %parallel_loop3A_186 = tpu.vector_load %arg11[%parallel_loop3A_184, %parallel_loop3A_185] {strides = array<i32>} : memref<32x256xf32, #tpu.memory_space<vmem>>, vector<16xf32>,
      tpu.vector_store %arg11[%parallel_loop3A_184, %parallel_loop3A_185], %parallel_loop3A_183 {strides = array<i32>} : memref<32x256xf32, #tpu.memory_space<vmem>>, vector<16xf32>,
      %parallel_loop3A_187 = tpu.vector_load_idx %arg9[%parallel_loop3A_151, %get3A_22] : memref<32x256xf32, #tpu.memory_space<vmem>>[vector<16xi32>, vector<16xi32>], vector<16xf32>,
      %parallel_loop3A_188 = arith.mulf %parallel_loop3A_187, %get3A_54 : vector<16xf32>
      %parallel_loop3A_189 = arith.index_cast %parallel_loop3A_150 : i32 to index
      %parallel_loop3A_190 = arith.constant 112 : index
      %parallel_loop3A_191 = tpu.vector_load %arg11[%parallel_loop3A_189, %parallel_loop3A_190] {strides = array<i32>} : memref<32x256xf32, #tpu.memory_space<vmem>>, vector<16xf32>,
      tpu.vector_store %arg11[%parallel_loop3A_189, %parallel_loop3A_190], %parallel_loop3A_188 {strides = array<i32>} : memref<32x256xf32, #tpu.memory_space<vmem>>, vector<16xf32>,
      %parallel_loop3A_192 = tpu.vector_load_idx %arg9[%parallel_loop3A_151, %get3A_24] : memref<32x256xf32, #tpu.memory_space<vmem>>[vector<16xi32>, vector<16xi32>], vector<16xf32>,
      %parallel_loop3A_193 = arith.mulf %parallel_loop3A_192, %get3A_56 : vector<16xf32>
      %parallel_loop3A_194 = arith.index_cast %parallel_loop3A_150 : i32 to index
      %parallel_loop3A_195 = arith.constant 128 : index
      %parallel_loop3A_196 = tpu.vector_load %arg11[%parallel_loop3A_194, %parallel_loop3A_195] {strides = array<i32>} : memref<32x256xf32, #tpu.memory_space<vmem>>, vector<16xf32>,
      tpu.vector_store %arg11[%parallel_loop3A_194, %parallel_loop3A_195], %parallel_loop3A_193 {strides = array<i32>} : memref<32x256xf32, #tpu.memory_space<vmem>>, vector<16xf32>,
      %parallel_loop3A_197 = tpu.vector_load_idx %arg9[%parallel_loop3A_151, %get3A_26] : memref<32x256xf32, #tpu.memory_space<vmem>>[vector<16xi32>, vector<16xi32>], vector<16xf32>,
      %parallel_loop3A_198 = arith.mulf %parallel_loop3A_197, %get3A_58 : vector<16xf32>
      %parallel_loop3A_199 = arith.index_cast %parallel_loop3A_150 : i32 to index
      %parallel_loop3A_200 = arith.constant 144 : index
      %parallel_loop3A_201 = tpu.vector_load %arg11[%parallel_loop3A_199, %parallel_loop3A_200] {strides = array<i32>} : memref<32x256xf32, #tpu.memory_space<vmem>>, vector<16xf32>,
      tpu.vector_store %arg11[%parallel_loop3A_199, %parallel_loop3A_200], %parallel_loop3A_198 {strides = array<i32>} : memref<32x256xf32, #tpu.memory_space<vmem>>, vector<16xf32>,
      %parallel_loop3A_202 = tpu.vector_load_idx %arg9[%parallel_loop3A_151, %get3A_28] : memref<32x256xf32, #tpu.memory_space<vmem>>[vector<16xi32>, vector<16xi32>], vector<16xf32>,
      %parallel_loop3A_203 = arith.mulf %parallel_loop3A_202, %get3A_60 : vector<16xf32>
      %parallel_loop3A_204 = arith.index_cast %parallel_loop3A_150 : i32 to index
      %parallel_loop3A_205 = arith.constant 160 : index
      %parallel_loop3A_206 = tpu.vector_load %arg11[%parallel_loop3A_204, %parallel_loop3A_205] {strides = array<i32>} : memref<32x256xf32, #tpu.memory_space<vmem>>, vector<16xf32>,
      tpu.vector_store %arg11[%parallel_loop3A_204, %parallel_loop3A_205], %parallel_loop3A_203 {strides = array<i32>} : memref<32x256xf32, #tpu.memory_space<vmem>>, vector<16xf32>,
      %parallel_loop3A_207 = tpu.vector_load_idx %arg9[%parallel_loop3A_151, %get3A_30] : memref<32x256xf32, #tpu.memory_space<vmem>>[vector<16xi32>, vector<16xi32>], vector<16xf32>,
      %parallel_loop3A_208 = arith.mulf %parallel_loop3A_207, %get3A_62 : vector<16xf32>
      %parallel_loop3A_209 = arith.index_cast %parallel_loop3A_150 : i32 to index
      %parallel_loop3A_210 = arith.constant 176 : index
      %parallel_loop3A_211 = tpu.vector_load %arg11[%parallel_loop3A_209, %parallel_loop3A_210] {strides = array<i32>} : memref<32x256xf32, #tpu.memory_space<vmem>>, vector<16xf32>,
      tpu.vector_store %arg11[%parallel_loop3A_209, %parallel_loop3A_210], %parallel_loop3A_208 {strides = array<i32>} : memref<32x256xf32, #tpu.memory_space<vmem>>, vector<16xf32>,
      %parallel_loop3A_212 = tpu.vector_load_idx %arg9[%parallel_loop3A_151, %get3A_32] : memref<32x256xf32, #tpu.memory_space<vmem>>[vector<16xi32>, vector<16xi32>], vector<16xf32>,
      %parallel_loop3A_213 = arith.mulf %parallel_loop3A_212, %get3A_64 : vector<16xf32>
      %parallel_loop3A_214 = arith.index_cast %parallel_loop3A_150 : i32 to index
      %parallel_loop3A_215 = arith.constant 192 : index
      %parallel_loop3A_216 = tpu.vector_load %arg11[%parallel_loop3A_214, %parallel_loop3A_215] {strides = array<i32>} : memref<32x256xf32, #tpu.memory_space<vmem>>, vector<16xf32>,
      tpu.vector_store %arg11[%parallel_loop3A_214, %parallel_loop3A_215], %parallel_loop3A_213 {strides = array<i32>} : memref<32x256xf32, #tpu.memory_space<vmem>>, vector<16xf32>,
      %parallel_loop3A_217 = tpu.vector_load_idx %arg9[%parallel_loop3A_151, %get3A_34] : memref<32x256xf32, #tpu.memory_space<vmem>>[vector<16xi32>, vector<16xi32>], vector<16xf32>,
      %parallel_loop3A_218 = arith.mulf %parallel_loop3A_217, %get3A_66 : vector<16xf32>
      %parallel_loop3A_219 = arith.index_cast %parallel_loop3A_150 : i32 to index
      %parallel_loop3A_220 = arith.constant 208 : index
      %parallel_loop3A_221 = tpu.vector_load %arg11[%parallel_loop3A_219, %parallel_loop3A_220] {strides = array<i32>} : memref<32x256xf32, #tpu.memory_space<vmem>>, vector<16xf32>,
      tpu.vector_store %arg11[%parallel_loop3A_219, %parallel_loop3A_220], %parallel_loop3A_218 {strides = array<i32>} : memref<32x256xf32, #tpu.memory_space<vmem>>, vector<16xf32>,
      %parallel_loop3A_222 = tpu.vector_load_idx %arg9[%parallel_loop3A_151, %get3A_36] : memref<32x256xf32, #tpu.memory_space<vmem>>[vector<16xi32>, vector<16xi32>], vector<16xf32>,
      %parallel_loop3A_223 = arith.mulf %parallel_loop3A_222, %get3A_68 : vector<16xf32>
      %parallel_loop3A_224 = arith.index_cast %parallel_loop3A_150 : i32 to index
      %parallel_loop3A_225 = arith.constant 224 : index
      %parallel_loop3A_226 = tpu.vector_load %arg11[%parallel_loop3A_224, %parallel_loop3A_225] {strides = array<i32>} : memref<32x256xf32, #tpu.memory_space<vmem>>, vector<16xf32>,
      tpu.vector_store %arg11[%parallel_loop3A_224, %parallel_loop3A_225], %parallel_loop3A_223 {strides = array<i32>} : memref<32x256xf32, #tpu.memory_space<vmem>>, vector<16xf32>,
      %parallel_loop3A_227 = tpu.vector_load_idx %arg9[%parallel_loop3A_151, %get3A_38] : memref<32x256xf32, #tpu.memory_space<vmem>>[vector<16xi32>, vector<16xi32>], vector<16xf32>,
      %parallel_loop3A_228 = arith.mulf %parallel_loop3A_227, %get3A_70 : vector<16xf32>
      %parallel_loop3A_229 = arith.index_cast %parallel_loop3A_150 : i32 to index
      %parallel_loop3A_230 = arith.constant 240 : index
      %parallel_loop3A_231 = tpu.vector_load %arg11[%parallel_loop3A_229, %parallel_loop3A_230] {strides = array<i32>} : memref<32x256xf32, #tpu.memory_space<vmem>>, vector<16xf32>,
      tpu.vector_store %arg11[%parallel_loop3A_229, %parallel_loop3A_230], %parallel_loop3A_228 {strides = array<i32>} : memref<32x256xf32, #tpu.memory_space<vmem>>, vector<16xf32>,
    } {sc.loop_unroll_factor = 1 : i64, sc.parallel_access}
    %dma_start3A_126 = arith.constant 0 : i32
    %dma_start3A_127 = tpu.memref_slice %arg5[%add3A_88, %dma_start3A_126] : memref<1024x256xf32, #tpu.memory_space<hbm>> -> memref<32x256xf32, #tpu.memory_space<hbm>>
    %dma_start3A_128 = arith.constant 0 : i32
    %dma_start3A_129 = tpu.memref_slice %arg5[%add3A_88, %dma_start3A_128] : memref<1024x256xf32, #tpu.memory_space<hbm>> -> memref<32x256xf32, #tpu.memory_space<hbm>>
    tpu.enqueue_dma source(%arg11 : memref<32x256xf32, #tpu.memory_space<vmem>>) target(%dma_start3A_129 : memref<32x256xf32, #tpu.memory_space<hbm>>) target_semaphore(%arg15 : memref<!tpu.dma_semaphore, #tpu.memory_space<semaphore_mem>>)
    %scan3A_130 = arith.constant 0 : i32
    %scan3A_131 = arith.constant 1 : i32
    %dma_wait3A_132 = arith.constant 0 : i32
    %dma_wait3A_133 = arith.constant 0 : i32
    %dma_wait3A_134 = tpu.memref_slice %arg2[%dma_wait3A_132, %dma_wait3A_133] : memref<16384x256xf32, #tpu.memory_space<hbm>> -> memref<32x256xf32, #tpu.memory_space<hbm>>
    %dma_wait3A_135 = arith.constant 0 : i32
    %dma_wait3A_136 = arith.constant 0 : i32
    %dma_wait3A_137 = tpu.memref_slice %arg2[%dma_wait3A_135, %dma_wait3A_136] : memref<16384x256xf32, #tpu.memory_space<hbm>> -> memref<32x256xf32, #tpu.memory_space<hbm>>
    tpu.wait_dma2 semaphore(%arg12 : memref<!tpu.dma_semaphore, #tpu.memory_space<semaphore_mem>>) src(%dma_wait3A_137 : memref<32x256xf32, #tpu.memory_space<hbm>>) dst(%arg8 : memref<32x256xf32, #tpu.memory_space<vmem>>)
    %dma_wait3A_138 = arith.constant 0 : i32
    %dma_wait3A_139 = arith.constant 0 : i32
    %dma_wait3A_140 = tpu.memref_slice %arg5[%dma_wait3A_138, %dma_wait3A_139] : memref<1024x256xf32, #tpu.memory_space<hbm>> -> memref<32x256xf32, #tpu.memory_space<hbm>>
    %dma_wait3A_141 = arith.constant 0 : i32
    %dma_wait3A_142 = arith.constant 0 : i32
    %dma_wait3A_143 = tpu.memref_slice %arg5[%dma_wait3A_141, %dma_wait3A_142] : memref<1024x256xf32, #tpu.memory_space<hbm>> -> memref<32x256xf32, #tpu.memory_space<hbm>>
    tpu.wait_dma2 semaphore(%arg14 : memref<!tpu.dma_semaphore, #tpu.memory_space<semaphore_mem>>) src(%arg10 : memref<32x256xf32, #tpu.memory_space<vmem>>) dst(%dma_wait3A_143 : memref<32x256xf32, #tpu.memory_space<hbm>>)
    %dma_wait3A_144 = arith.constant 0 : i32
    %dma_wait3A_145 = arith.constant 0 : i32
    %dma_wait3A_146 = tpu.memref_slice %arg5[%dma_wait3A_144, %dma_wait3A_145] : memref<1024x256xf32, #tpu.memory_space<hbm>> -> memref<32x256xf32, #tpu.memory_space<hbm>>
    %dma_wait3A_147 = arith.constant 0 : i32
    %dma_wait3A_148 = arith.constant 0 : i32
    %dma_wait3A_149 = tpu.memref_slice %arg5[%dma_wait3A_147, %dma_wait3A_148] : memref<1024x256xf32, #tpu.memory_space<hbm>> -> memref<32x256xf32, #tpu.memory_space<hbm>>
    tpu.wait_dma2 semaphore(%arg15 : memref<!tpu.dma_semaphore, #tpu.memory_space<semaphore_mem>>) src(%arg11 : memref<32x256xf32, #tpu.memory_space<vmem>>) dst(%dma_wait3A_149 : memref<32x256xf32, #tpu.memory_space<hbm>>)
    return
  }
}

module attributes {stable_mosaic.version = 14 : i64} {
  func.func @_tc_body(%arg0: i32, %arg1: memref<1x256xi32, #tpu.memory_space<vmem>>, %arg2: memref<1x256xf32, #tpu.memory_space<vmem>>, %arg3: memref<2560x256xf32, #tpu.memory_space<vmem>>, %arg4: memref<2560x256xf32, #tpu.memory_space<vmem>>, %arg5: memref<256x256xf32, #tpu.memory_space<vmem>>) attributes {dimension_semantics = [#tpu.dimension_semantics<arbitrary>], iteration_bounds = array<i64: 6>, scalar_prefetch = 0 : i64, scratch_operands = 1 : i64, tpu.core_type = #tpu.core_type<tc>, window_params = [{pipeline_mode = #tpu.pipeline_mode<synchronous>, transform_indices = @transform_0, window_bounds = array<i64: 1, 256>}, {pipeline_mode = #tpu.pipeline_mode<synchronous>, transform_indices = @transform_1, window_bounds = array<i64: 1, 256>}, {transform_indices = @transform_2, window_bounds = array<i64: 2560, 256>}, {transform_indices = @transform_3, window_bounds = array<i64: 2560, 256>}]} {
    %eq3A = arith.constant 0 : i32
    %eq3A_0 = arith.cmpi eq, %arg0, %eq3A : i32
    %convert_element_type3A = arith.extui %eq3A_0 : i1 to i32
    %cond3A = arith.constant 0 : i32
    %cond3A_1 = arith.cmpi ne, %convert_element_type3A, %cond3A : i32
    scf.if %cond3A_1 {
      %iota3A = tpu.iota {dimensions = array<i32: 0>} : vector<256x256xi32>
      %get3A_10 = arith.constant 0 : index
      %get3A_11 = arith.constant 0 : index
      %get3A_12 = vector.load %arg1[%get3A_10, %get3A_11] : memref<1x256xi32, #tpu.memory_space<vmem>>, vector<1x256xi32>
      %eq3A_13 = vector.broadcast %get3A_12 : vector<1x256xi32> to vector<256x256xi32>
      %eq3A_14 = arith.cmpi eq, %iota3A, %eq3A_13 : vector<256x256xi32>
      %get3A_15 = arith.constant 0 : index
      %get3A_16 = arith.constant 0 : index
      %get3A_17 = vector.load %arg2[%get3A_15, %get3A_16] : memref<1x256xf32, #tpu.memory_space<vmem>>, vector<1x256xf32>
      %jit3A = arith.constant 0.000000e+00 : f32
      %broadcast_in_dim3A = vector.shape_cast %get3A_17 : vector<1x256xf32> to vector<1x256xf32>
      %broadcast_in_dim3A_18 = vector.broadcast %broadcast_in_dim3A : vector<1x256xf32> to vector<256x256xf32>
      %broadcast_in_dim3A_19 = vector.broadcast %jit3A : f32 to vector<256x256xf32>
      %select_n3A = arith.select %eq3A_14, %broadcast_in_dim3A_18, %broadcast_in_dim3A_19 : vector<256x256xi1>, vector<256x256xf32>
      %swap3A_20 = arith.constant 0 : index
      %swap3A_21 = arith.constant 0 : index
      %swap3A_22 = vector.load %arg5[%swap3A_20, %swap3A_21] : memref<256x256xf32, #tpu.memory_space<vmem>>, vector<256x256xf32>
      tpu.vector_store %arg5[%swap3A_20, %swap3A_21], %select_n3A {strides = array<i32>} : memref<256x256xf32, #tpu.memory_space<vmem>>, vector<256x256xf32>,
    } else {
    }
    %get3A = arith.constant 0 : index
    %get3A_2 = arith.constant 0 : index
    %get3A_3 = vector.load %arg3[%get3A, %get3A_2] : memref<2560x256xf32, #tpu.memory_space<vmem>>, vector<2560x256xf32>
    %get3A_4 = arith.constant 0 : index
    %get3A_5 = arith.constant 0 : index
    %get3A_6 = vector.load %arg5[%get3A_4, %get3A_5] : memref<256x256xf32, #tpu.memory_space<vmem>>, vector<256x256xf32>
    %dot_general3A = arith.constant dense<0.000000e+00> : vector<2560x256xf32>
    %dot_general3A_7 = tpu.matmul %get3A_3, %get3A_6, %dot_general3A {dimension_numbers = #tpu.dot_dimension_numbers<[1], [0], [0], [1], [0, 0, 1, 1], [], []>, transpose_lhs_hint = false} : vector<2560x256xf32>, vector<256x256xf32>, vector<2560x256xf32> -> vector<2560x256xf32>
    %swap3A = arith.constant 0 : index
    %swap3A_8 = arith.constant 0 : index
    %swap3A_9 = vector.load %arg4[%swap3A, %swap3A_8] : memref<2560x256xf32, #tpu.memory_space<vmem>>, vector<2560x256xf32>
    tpu.vector_store %arg4[%swap3A, %swap3A_8], %dot_general3A_7 {strides = array<i32>} : memref<2560x256xf32, #tpu.memory_space<vmem>>, vector<2560x256xf32>,
    return
  }
  func.func @transform_0(%arg0: i32) -> (i32, i32) {
    %c0_i32 = arith.constant 0 : i32
    %c0_i32_0 = arith.constant 0 : i32
    %c0_i32_1 = arith.constant 0 : i32
    return %c0_i32, %c0_i32_0 : i32, i32
  }
  func.func @transform_1(%arg0: i32) -> (i32, i32) {
    %c0_i32 = arith.constant 0 : i32
    %c0_i32_0 = arith.constant 0 : i32
    %c0_i32_1 = arith.constant 0 : i32
    return %c0_i32, %c0_i32_0 : i32, i32
  }
  func.func @transform_2(%arg0: i32) -> (i32, i32) {
    %c0_i32 = arith.constant 0 : i32
    %c0_i32_0 = arith.constant 0 : i32
    return %arg0, %c0_i32 : i32, i32
  }
  func.func @transform_3(%arg0: i32) -> (i32, i32) {
    %c0_i32 = arith.constant 0 : i32
    %c0_i32_0 = arith.constant 0 : i32
    return %arg0, %c0_i32 : i32, i32
  }
}

</mosaic_0001>

<sc_bundles>
// kernel: _run.4.cloned.1.call-start
scs
__scs_entry_jumppad:
0x0: {  	(pc) =	sbr.rel $0x88, $3  }
0x1: {  	(tag) =	ssettag $0x0;
	lr =	simm.s32 $0x1  }
0x2: {  	[smem:$0x3F9E] =	sst lr;
	_ =	strace $0xD0000000  }
0x3: {  	_ = 	snop  }
0x4: {  	_ = 	snop  }
0x5: {  	_ = 	snop  }
0x6: {  	_ = 	snop  }
0x7: {  	_ = 	snop  }
__scs_overlays_trampoline_lowered:
0x8: {  	[smem:$0x3FAD] =	sst s0  }
0x9: {  	[smem:$0x3FAE] =	sst s1  }
0xa: {  	[smem:$0x3FAF] =	sst s2  }
0xb: {  	[smem:$0x3FB0] =	sst s3  }
0xc: {  	[smem:$0x3FB1] =	sst s4  }
0xd: {  	[smem:$0x3FB2] =	sst s5  }
0xe: {  	[smem:$0x3FB3] =	sst s6  }
0xf: {  	[smem:$0x3FB4] =	sst s7  }
0x10: {  	[smem:$0x3FB5] =	sst s8  }
0x11: {  	[smem:$0x3FB6] =	sst s9;
	s0 =	simm.s32 @!p0 $0x0  }
0x12: {  	s1 =	sld [smem:$0x3F9C];
	s0 =	simm.s32 @p0 $0x1  }
0x13: {  	[smem:$0x3FB7] =	sst s0;
	s0 =	simm.s32 @!p1 $0x0  }
0x14: {  	s2 =	sld [smem:$0x3F9B];
	s0 =	simm.s32 @p1 $0x1  }
0x15: {  	[smem:$0x3FB8] =	sst s0;
	s0 =	simm.s32 @!p2 $0x0  }
0x16: {  	s3 =	sld [smem:$0x3FDB];
	s0 =	simm.s32 @p2 $0x1  }
0x17: {  	s4 =	simm.s32 $0x1BF5;
	[smem:$0x3FBA] =	sst s0  }
0x18: {  	s0 =	sld [smem:$0x3F9D];
	_ =	swait.ge [sflag:s4], $0x0  }
0x19: {  	s7 =	sld [smem:$0x3F9E]  }
0x1a: {  	s8 =	sadd.s32 $0xFFFFE003, lr  }
0x1b: {  	s9 =	sadd.s32 $0xFFFFFEF7, lr;
	s5 =	simm.s32 $0xFFFFFFFF;
	p2 =	slt.u32 s8, $0xFFFFF086  }
0x1c: {  	p1 =	slt.u32 s9, $0xF7A;
	s5 =	simm.s32 @!p2 $0x0  }
0x1d: {  	s5 =	simm.s32 @p1 $0x1;
	p0 =	seq.s32 s7, s2  }
0x1e: {  	s7 =	smul.u32 @!p0 $0xF7A, s2;
	p2 =	seq.s32 @!p0 s5, $0x0  }
0x1f: {  	s9 =	smul.u32 $0xF7A, s1;
	s8 =	simm.s32 @!p0 $0x1BF5;
	p2 =	por !p2, p0  }
0x20: {  	[sflag:s8] =	ssyncset.s32 @!p0 $0xFFFFF086;
	s6 =	sadd.s32 @!p0 s3, s7;
	s7 =	simm.s32 @!p0 $0x108  }
0x21: {  	s3 =	sadd.s32 s3, s9;
	s6 =	sadd.s32 @!p0 $0x88, s6;
	s7 =	simm.s32 @p2 $0x1082  }
0x22: {  	[simem:s7], [sflag:s8] =	dma.local @!p0 [hbm:s6], $0xF7A  }
0x23: {  	s9 =	sor.u32 $0xD0000000, s2;
	s6 =	simm.s32 $0x108;
	_ =	swait.ge @!p0 [sflag:s8], $0x0  }
0x24: {  	s3 =	sadd.s32 $0x88, s3;
	s6 =	simm.s32 @!p1 $0x1082;
	[sflag:s4] =	ssyncset.s32 $0xFFFFF086  }
0x25: {  	[simem:s6], [sflag:s4] =	dma.local [hbm:s3], $0xF7A  }
0x26: {  	[smem:$0x3F9E] =	sst s1;
	(tag) =	ssettag s2;
	_ =	strace s9  }
0x27: {  	s1 =	sld [smem:$0x3FAE]  }
0x28: {  	s2 =	sld [smem:$0x3FAF]  }
0x29: {  	s4 =	sld [smem:$0x3FB1]  }
0x2a: {  	p0 =	seq.s32 s5, $0x0;
	s5 =	sld [smem:$0x3FB2]  }
0x2b: {  	s6 =	sld [smem:$0x3FB3]  }
0x2c: {  	s7 =	sld [smem:$0x3FB4]  }
0x2d: {  	s3 =	simm.s32 $0x108;
	s8 =	sld [smem:$0x3FB5]  }
0x2e: {  	s3 =	simm.s32 @!p0 $0x1082;
	s9 =	sld [smem:$0x3FB6]  }
0x2f: {  	lr =	sadd.s32 s0, s3;
	s0 =	sld [smem:$0x3FAD]  }
0x30: {  	s3 =	sld [smem:$0x3FB0]  }
0x31: {  	[smem:$0x3FB9] =	sst s10  }
0x32: {  	s10 =	sld [smem:$0x3FB7];
	_ =	sdelay $0x3  }
0x33: {  	p0 =	seq.s32 s10, $0x1;
	s10 =	sld [smem:$0x3FB9];
	_ =	sdelay $0x3  }
0x34: {  	[smem:$0x3FB9] =	sst s10  }
0x35: {  	s10 =	sld [smem:$0x3FB8];
	_ =	sdelay $0x3  }
0x36: {  	p1 =	seq.s32 s10, $0x1;
	s10 =	sld [smem:$0x3FB9];
	_ =	sdelay $0x3  }
0x37: {  	[smem:$0x3FB9] =	sst s10  }
0x38: {  	s10 =	sld [smem:$0x3FBA]  }
0x39: {  	_ = 	snop;
	(pc) =	sbr.ind lr, $3  }
0x3a: {  	_ = 	snop  }
0x3b: {  	_ = 	snop  }
0x3c: {  	p2 =	seq.s32 s10, $0x1;
	s10 =	sld [smem:$0x3FB9]  }
0x3d: {  	_ =	shalt  }
0x3e: {  	_ =	shalt  }
0x3f: {  	_ =	shalt  }
0x40: {  	_ =	shalt  }
0x41: {  	_ =	shalt  }
0x42: {  	_ =	shalt  }
0x43: {  	_ =	shalt  }
0x44: {  	_ =	shalt  }
0x45: {  	_ =	shalt  }
0x46: {  	_ =	shalt  }
0x47: {  	_ =	shalt  }
0x48: {  	_ =	shalt  }
0x49: {  	_ =	shalt  }
0x4a: {  	_ =	shalt  }
0x4b: {  	_ =	shalt  }
0x4c: {  	_ =	shalt  }
0x4d: {  	_ =	shalt  }
0x4e: {  	_ =	shalt  }
0x4f: {  	_ =	shalt  }
0x50: {  	_ =	shalt  }
0x51: {  	_ =	shalt  }
0x52: {  	_ =	shalt  }
0x53: {  	_ =	shalt  }
0x54: {  	_ =	shalt  }
0x55: {  	_ =	shalt  }
0x56: {  	_ =	shalt  }
0x57: {  	_ =	shalt  }
0x58: {  	_ =	shalt  }
0x59: {  	_ =	shalt  }
0x5a: {  	_ =	shalt  }
0x5b: {  	_ =	shalt  }
0x5c: {  	_ =	shalt  }
0x5d: {  	_ =	shalt  }
0x5e: {  	_ =	shalt  }
0x5f: {  	_ =	shalt  }
0x60: {  	_ =	shalt  }
0x61: {  	_ =	shalt  }
0x62: {  	_ =	shalt  }
0x63: {  	_ =	shalt  }
0x64: {  	_ =	shalt  }
0x65: {  	_ =	shalt  }
0x66: {  	_ =	shalt  }
0x67: {  	_ =	shalt  }
0x68: {  	_ =	shalt  }
0x69: {  	_ =	shalt  }
0x6a: {  	_ =	shalt  }
0x6b: {  	_ =	shalt  }
0x6c: {  	_ =	shalt  }
0x6d: {  	_ =	shalt  }
0x6e: {  	_ =	shalt  }
0x6f: {  	_ =	shalt  }
0x70: {  	_ =	shalt  }
0x71: {  	_ =	shalt  }
0x72: {  	_ =	shalt  }
0x73: {  	_ =	shalt  }
0x74: {  	_ =	shalt  }
0x75: {  	_ =	shalt  }
0x76: {  	_ =	shalt  }
0x77: {  	_ =	shalt  }
0x78: {  	_ =	shalt  }
0x79: {  	_ =	shalt  }
0x7a: {  	_ =	shalt  }
0x7b: {  	_ =	shalt  }
0x7c: {  	_ =	shalt  }
0x7d: {  	_ =	shalt  }
0x7e: {  	_ =	shalt  }
0x7f: {  	_ =	shalt  }
0x80: {  	_ =	shalt  }
0x81: {  	_ =	shalt  }
0x82: {  	_ =	shalt  }
0x83: {  	_ =	shalt  }
0x84: {  	_ =	shalt  }
0x85: {  	_ =	shalt  }
0x86: {  	_ =	shalt  }
0x87: {  	_ =	shalt  }
.Lfunc_end0:
.L_simem_size_0:
called_computation_lowered:
.L_overlay_start_0:
0x88: {  	s0 =	sld [smem:$0x3FD9]  }
0x89: {  	s1 =	sld [smem:$0x3FFE];
	_ =	sdelay $0x3  }
0x8a: {  	s0 =	sadd.s32 s1, s0  }
0x8b: {  	[smem:$0x3FC5] =	sst s0  }
0x8c: {  	_ = 	snop  }
0x8d: {  	s0 =	sld [smem:$0x3FC9]  }
0x8e: {  	s16 =	sld [smem:$0x3FC8]  }
0x8f: {  	s2 =	sld [smem:$0x3FC7];
	(tm) =	ssettm $0x1  }
0x90: {  	s3 =	sld [smem:$0x3FFB];
	_ =	sdelay $0x3  }
0x91: {  	_ =	strace s3  }
0x92: {  	s3 =	sld [smem:$0x3FFC];
	_ =	sdelay $0x3  }
0x93: {  	_ =	strace s3  }
0x94: {  	s3 =	sld [smem:$0x3FFD];
	_ =	sdelay $0x3  }
0x95: {  	_ =	strace s3  }
0x96: {  	_ =	strace $0x8FFFFFFF  }
0x97: {  	s17 =	sld [smem:$0x3FDB];
	_ =	sdelay $0x1  }
0x98: {  	s4 =	simm.s32 $_scs_section_size  }
0x99: {  	s5 =	simm.s32 $_size__tile_overlayer_lowered;
	s6 =	simm.s32 $_tile_overlayer_lowered  }
0x9a: {  	s20 =	simm.s32 $0x1BFF;
	s19 =	sshll.u32 s6, $0x1;
	s3 =	sadd.s32 s4, s17  }
0x9b: {  	s7 =	simm.s32 $0x0;
	s18 =	sshll.u32 s5, $0x1;
	s5 =	sadd.s32 s19, s3  }
0x9c: {  	[timem:s7], [sflag:s20] =	dma.local [hbm:s5], s18  }
0x9d: {  	_ =	swait.ge [sflag:s20], s18  }
0x9e: {  	s4 =	ssub.s32 $0x0, s18;
	[sflag:s20] =	ssyncset.done $0x0  }
0x9f: {  	[sflag:s20] =	ssyncadd.s32 s4;
	_ =	sdelay $0x1  }
0xa0: {  	s21 =	simm.s32 $0x1B8B  }
0xa1: {  	_ =	swait.ge [sflag:s21], $0x1  }
0xa2: {  	[sflag:s21] =	ssyncset.done $0x0  }
0xa3: {  	s23 =	simm.s32 $0x1B8E;
	s22 =	sld [smem:$0x3FFE];
	[sflag:s21] =	ssyncadd.s32 $0xFFFFFFFF  }
0xa4: {  	s24 =	simm.s32 $execute0_lowered;
	[smem:$0x3FD2] =	sst s23  }
0xa5: {  	s5 =	sshll.u32 s24, $0x1;
	_ =	strace $0x80000046;
	[dreg:$0x1] =	wrdreg $0xFFFFFFFF  }
0xa6: {  	s25 =	simm.s32 $_size_execute0_lowered;
	s3 =	sadd.s32 s3, s5;
	[dreg:$0x0] =	wrdreg $0x0  }
0xa7: {  	s5 =	sshll.u32 s25, $0x1;
	[dreg:$0x2] =	wrdreg s3  }
0xa8: {  	[dreg:$0x3] =	wrdreg s5  }
0xa9: {  	[dreg:$0x4] =	wrdreg $0xC0  }
0xaa: {  	_ =	task [dreg:s7], $0x5FFFF  }
0xab: {  	[dreg:$0x1] =	wrdreg $0xFFFFFFFF  }
0xac: {  	[dreg:$0x0] =	wrdreg $0x60  }
0xad: {  	[dreg:$0x2] =	wrdreg s0  }
0xae: {  	[dreg:$0x3] =	wrdreg s16  }
0xaf: {  	[dreg:$0x4] =	wrdreg s2  }
0xb0: {  	[dreg:$0x5] =	wrdreg s22  }
0xb1: {  	[dreg:$0x6] =	wrdreg $0x9  }
0xb2: {  	_ =	task.clear_ibuf [dreg:s7], $0x7FFFF;
	_ =	strace $0x90000046  }
0xb3: {  	s26 =	simm.s32 $0x9;
	_ =	strace $0x80000048  }
0xb4: {  	_ =	swait.ge [sflag:s26], $0x1  }
0xb5: {  	[sflag:s26] =	ssyncadd.s32 $0xFFFFFFFF  }
0xb6: {  	_ =	strace $0x90000048  }
0xb7: {  	_ =	sfence  }
0xb8: {  	s28 =	sld [smem:$0x0];
	_ =	sdelay $0x1  }
0xb9: {  	s29 =	srdreg.scid  }
0xba: {  	s30 =	sshll.u32 s29, $0xD;
	s31 =	sshrl.u32 s29, $0x2  }
0xbb: {  	s1 =	sand.u32 $0x1, s29;
	s2 =	sand.u32 $0x4000, s30;
	s0 =	sadd.s32 s31, s28  }
0xbc: {  	s1 =	sor.u32 s2, s1;
	s0 =	sshll.u32 s0, $0x11  }
0xbd: {  	s0 =	sor.u32 s0, s1  }
0xbe: {  	s0 =	sadd.s32 $0x8F2B, s0  }
0xbf: {  	[sflag:s0] =	ssyncadd.remote.s32 $0x1  }
0xc0: {  	_ =	sfence.sel $0xFFFF  }
0xc1: {  	[dreg:$0x0] =	wrdreg $0xFFFFFFFF;
	(pc) =	sbr.abs _section_cstart, $3  }
0xc2: {  	[dreg:$0x1] =	wrdreg $0xFFFFFFFF  }
0xc3: {  	_ =	task.clear_ibuf [dreg:s7], $0x2FFFF;
	_ =	strace $0x9FFFFFFF  }
0xc4: {  	(tm) =	ssettm $0x7FFFFFFF  }
0xc5: {  	_ =	shalt  }
tec
execute0_lowered:
.L_overlay_start_1:
0x0: {  	(tag) =	ssettag $0x1  }
0x1: {  	s4 =	rddreg [dreg:$0x0]  }
0x2: {  	s1 =	rddreg [dreg:$0x1]  }
0x3: {  	s2 =	rddreg [dreg:$0x2]  }
0x4: {  	s3 =	rddreg [dreg:$0x3];
	s6 =	simm.s32 $0x0  }
0x5: {  	[smem:$0x7FF] =	sst s6  }
0x6: {  	s0 =	rddreg [dreg:$0x4];
	s16 =	simm.s32 $0x5;
	_ =	strace $0x80000047  }
0x7: {  	[tilespmem:s6], [sflag:$0x5] =	stream.linear.gather [hbm4b:s2+s6], $0x100, $0x38;
	[tilespmem:$0x8200] =	vst v63  }
0x8: {  	_ =	swait.ge [sflag:s16], $0x100  }
0x9: {  	[sflag:s16] =	ssyncset.done $0x0  }
0xa: {  	s5 =	simm.s32 $0x100;
	[sflag:s16] =	ssyncadd.s32 $0xFFFFFF00  }
0xb: {  	[tilespmem:s5], [sflag:$0x5] =	stream.linear.gather [hbm4b:s1+s6], $0x100, $0x38;
	[tilespmem:$0x8200] =	vst v63  }
0xc: {  	_ =	swait.ge [sflag:s16], $0x100  }
0xd: {  	[sflag:s16] =	ssyncset.done $0x0  }
0xe: {  	[sflag:s16] =	ssyncadd.s32 $0xFFFFFF00  }
0xf: {  	v16 =	vld [tilespmem:$0x0]  }
0x10: {  	v17 =	vld [tilespmem:$0x10]  }
0x11: {  	v18 =	vld [tilespmem:$0x20]  }
0x12: {  	v19 =	vld [tilespmem:$0x30]  }
0x13: {  	v20 =	vld [tilespmem:$0x40]  }
0x14: {  	v22 =	vld [tilespmem:$0x50]  }
0x15: {  	v23 =	vld [tilespmem:$0x60]  }
0x16: {  	v24 =	vld [tilespmem:$0x70]  }
0x17: {  	v26 =	vld [tilespmem:$0x80]  }
0x18: {  	v28 =	vld [tilespmem:$0x90]  }
0x19: {  	v29 =	vld [tilespmem:$0xA0]  }
0x1a: {  	v27 =	vld [tilespmem:$0xB0]  }
0x1b: {  	v30 =	vld [tilespmem:$0xC0]  }
0x1c: {  	v25 =	vld [tilespmem:$0xD0]  }
0x1d: {  	v21 =	vld [tilespmem:$0xE0]  }
0x1e: {  	v31 =	vld [tilespmem:$0xF0]  }
0x1f: {  	v15 =	vld [tilespmem:$0x100]  }
0x20: {  	v14 =	vld [tilespmem:$0x110]  }
0x21: {  	v13 =	vld [tilespmem:$0x120]  }
0x22: {  	v12 =	vld [tilespmem:$0x130]  }
0x23: {  	v11 =	vld [tilespmem:$0x140]  }
0x24: {  	v10 =	vld [tilespmem:$0x150]  }
0x25: {  	v9 =	vld [tilespmem:$0x160]  }
0x26: {  	v8 =	vld [tilespmem:$0x170]  }
0x27: {  	v7 =	vld [tilespmem:$0x180]  }
0x28: {  	v6 =	vld [tilespmem:$0x190]  }
0x29: {  	v5 =	vld [tilespmem:$0x1A0]  }
0x2a: {  	s1 =	stileid.u32;
	v4 =	vld [tilespmem:$0x1B0]  }
0x2b: {  	v33 =	vmov s6;
	s2 =	sshll.u32 s1, $0xB;
	v3 =	vld [tilespmem:$0x1C0];
	v32 =	vshll.u32 v16, $0x3  }
0x2c: {  	v34 =	vshll.u32 v33, $0x8;
	s4 =	sadd.s32 s2, s4;
	v2 =	vld [tilespmem:$0x1D0];
	v16 =	vand.u32 $0x7F, v16;
	v32 =	vand.u32 $0xFFFFFC00, v32  }
0x2d: {  	v53 =	vshll.u32 v33, $0x7;
	v45 =	vand.u32 $0x1800, v34;
	s5 =	simm.s32 $0x200;
	s7 =	sadd.s32 $0x78000, s4;
	v1 =	vld [tilespmem:$0x1E0];
	v16 =	vor.u32 v16, v32  }
0x2e: {  	v44 =	vand.u32 $0x380, v53;
	v0 =	vld [tilespmem:$0x1F0];
	[tilespmem:s5], [sflag:$0x1] =	stream.linear.gather [hbm4b:s7+s6], $0x2000, $0x38;
	v54 =	vadd.s32 v16, v45  }
0x2f: {  	s17 =	simm.s32 $0x2200;
	s18 =	simm.s32 $0x1;
	s4 =	sadd.s32 $0x78400, s4;
	v32 =	vor.u32 v44, v54  }
0x30: {  	[tilespmem:s17], [sflag:$0x2] =	stream.linear.gather [hbm4b:s4+s6], $0x2000, $0x38;
	[tilespmem:$0x8200] =	vst v63  }
0x31: {  	_ =	swait.ge [sflag:s18], $0x2000  }
0x32: {  	[sflag:s18] =	ssyncset.done $0x0  }
0x33: {  	[sflag:s18] =	ssyncadd.s32 $0xFFFFE000;
	v55 =	vshll.u32 v17, $0x3  }
0x34: {  	v17 =	vand.u32 $0x7F, v17;
	v33 =	vand.u32 $0xFFFFFC00, v55;
	v32 =	vld.idx.msk [tilespmem:v32+s5+$0x0], $0xffff  }
0x35: {  	v17 =	vor.u32 v17, v33  }
0x36: {  	v33 =	vadd.s32 v17, v45  }
0x37: {  	v33 =	vor.u32 v44, v33;
	_ =	sdelay $0x1  }
0x38: {  	s19 =	sand.u32 $0x1800, s6;
	s6 =	sand.u32 $0x380, s6;
	v32 =	vmul.f32 v32, v15  }
0x39: {  	s6 =	sor.u32 s6, s19  }
0x3a: {  	v56 =	vshll.u32 v18, $0x3;
	[tilespmem:s6+$0x4200] =	vst v32  }
0x3b: {  	s20 =	simm.s32 $0x1;
	v18 =	vand.u32 $0x7F, v18;
	v57 =	vand.u32 $0xFFFFFC00, v56;
	v33 =	vld.idx.msk [tilespmem:v33+s5+$0x0], $0xffff  }
0x3c: {  	v58 =	vmov s20;
	v18 =	vor.u32 v18, v57  }
0x3d: {  	v59 =	vshll.u32 v58, $0x8;
	v36 =	vadd.s32 v18, v45  }
0x3e: {  	v35 =	vand.u32 $0x1800, v59;
	v60 =	vor.u32 v44, v36;
	v32 =	vshll.u32 v58, $0x7  }
0x3f: {  	v61 =	vadd.s32 v16, v35;
	v32 =	vand.u32 $0x380, v32  }
0x40: {  	v36 =	vor.u32 v32, v61;
	v33 =	vmul.f32 v33, v14;
	_ =	sdelay $0x1  }
0x41: {  	v37 =	vshll.u32 v19, $0x3;
	[tilespmem:s6+$0x4210] =	vst v33  }
0x42: {  	v19 =	vand.u32 $0x7F, v19;
	v62 =	vand.u32 $0xFFFFFC00, v37;
	v34 =	vld.idx.msk [tilespmem:v60+s5+$0x0], $0xffff  }
0x43: {  	v19 =	vor.u32 v19, v62  }
0x44: {  	v40 =	vadd.s32 v19, v45;
	v63 =	vld.idx.msk [tilespmem:v36+s5+$0x0], $0xffff  }
0x45: {  	v36 =	vor.u32 v44, v40  }
0x46: {  	v41 =	vadd.s32 v17, v35  }
0x47: {  	v37 =	vor.u32 v32, v41;
	v34 =	vmul.f32 v34, v13  }
0x48: {  	s21 =	simm.s32 $0x80;
	s8 =	simm.s32 $0x100  }
0x49: {  	s8 =	sand.u32 $0x1800, s8;
	s7 =	sand.u32 $0x380, s21;
	v38 =	vshll.u32 v20, $0x3;
	v33 =	vmul.f32 v63, v15;
	[tilespmem:s6+$0x4220] =	vst v34  }
0x4a: {  	s7 =	sor.u32 s7, s8;
	v20 =	vand.u32 $0x7F, v20;
	v42 =	vand.u32 $0xFFFFFC00, v38;
	v36 =	vld.idx.msk [tilespmem:v36+s5+$0x0], $0xffff  }
0x4b: {  	v20 =	vor.u32 v20, v42;
	[tilespmem:s7+$0x4200] =	vst v33  }
0x4c: {  	v43 =	vadd.s32 v20, v45;
	v37 =	vld.idx.msk [tilespmem:v37+s5+$0x0], $0xffff  }
0x4d: {  	s22 =	simm.s32 $0x2;
	v46 =	vor.u32 v44, v43  }
0x4e: {  	v47 =	vmov s22;
	v48 =	vadd.s32 v18, v35  }
0x4f: {  	v39 =	vshll.u32 v47, $0x8;
	v40 =	vor.u32 v32, v48;
	v36 =	vmul.f32 v36, v12  }
0x50: {  	v41 =	vshll.u32 v22, $0x3;
	v33 =	vshll.u32 v47, $0x7;
	v34 =	vand.u32 $0x1800, v39  }
0x51: {  	v33 =	vand.u32 $0x380, v33;
	v39 =	vadd.s32 v16, v34;
	v37 =	vmul.f32 v37, v14;
	[tilespmem:s6+$0x4230] =	vst v36  }
0x52: {  	v22 =	vand.u32 $0x7F, v22;
	v49 =	vand.u32 $0xFFFFFC00, v41;
	v39 =	vor.u32 v33, v39;
	v38 =	vld.idx.msk [tilespmem:v46+s5+$0x0], $0xffff  }
0x53: {  	v22 =	vor.u32 v22, v49;
	[tilespmem:s7+$0x4210] =	vst v37  }
0x54: {  	v51 =	vadd.s32 v22, v45;
	v50 =	vld.idx.msk [tilespmem:v40+s5+$0x0], $0xffff  }
0x55: {  	v37 =	vor.u32 v44, v51  }
0x56: {  	v52 =	vadd.s32 v19, v35  }
0x57: {  	v39 =	vld.idx.msk [tilespmem:v39+s5+$0x0], $0xffff;
	v40 =	vor.u32 v32, v52;
	v38 =	vmul.f32 v38, v11;
	_ =	sdelay $0x1  }
0x58: {  	v53 =	vshll.u32 v23, $0x3;
	v42 =	vadd.s32 v17, v34;
	v36 =	vmul.f32 v50, v13;
	[tilespmem:s6+$0x4240] =	vst v38  }
0x59: {  	v23 =	vand.u32 $0x7F, v23;
	v54 =	vand.u32 $0xFFFFFC00, v53;
	v55 =	vor.u32 v33, v42;
	v37 =	vld.idx.msk [tilespmem:v37+s5+$0x0], $0xffff  }
0x5a: {  	s23 =	simm.s32 $0x100;
	s9 =	simm.s32 $0x200;
	v23 =	vor.u32 v23, v54;
	[tilespmem:s7+$0x4220] =	vst v36  }
0x5b: {  	s9 =	sand.u32 $0x1800, s9;
	s8 =	sand.u32 $0x380, s23;
	v58 =	vadd.s32 v23, v45;
	v56 =	vmul.f32 v39, v15;
	v57 =	vld.idx.msk [tilespmem:v40+s5+$0x0], $0xffff  }
0x5c: {  	s8 =	sor.u32 s8, s9;
	v39 =	vor.u32 v44, v58  }
0x5d: {  	v59 =	vadd.s32 v20, v35;
	[tilespmem:s8+$0x4200] =	vst v56  }
0x5e: {  	s24 =	simm.s32 $0x3;
	v61 =	vor.u32 v32, v59;
	v60 =	vshll.u32 v24, $0x3;
	v41 =	vld.idx.msk [tilespmem:v55+s5+$0x0], $0xffff;
	v37 =	vmul.f32 v37, v10  }
0x5f: {  	v24 =	vand.u32 $0x7F, v24;
	v62 =	vand.u32 $0xFFFFFC00, v60;
	v63 =	vmov s24  }
0x60: {  	v43 =	vshll.u32 v63, $0x8;
	v46 =	vadd.s32 v18, v34;
	v38 =	vmul.f32 v57, v12;
	[tilespmem:s6+$0x4250] =	vst v37  }
0x61: {  	v46 =	vor.u32 v33, v46;
	v40 =	vshll.u32 v63, $0x7;
	v37 =	vand.u32 $0x1800, v43;
	v39 =	vld.idx.msk [tilespmem:v39+s5+$0x0], $0xffff  }
0x62: {  	v24 =	vor.u32 v24, v62;
	v36 =	vand.u32 $0x380, v40;
	[tilespmem:s7+$0x4230] =	vst v38;
	v47 =	vadd.s32 v16, v37  }
0x63: {  	v48 =	vadd.s32 v24, v45;
	v41 =	vmul.f32 v41, v14;
	v42 =	vld.idx.msk [tilespmem:v61+s5+$0x0], $0xffff;
	v40 =	vor.u32 v36, v47  }
0x64: {  	v38 =	vor.u32 v44, v48  }
0x65: {  	v49 =	vadd.s32 v22, v35;
	[tilespmem:s8+$0x4210] =	vst v41  }
0x66: {  	v41 =	vor.u32 v32, v49;
	v43 =	vld.idx.msk [tilespmem:v46+s5+$0x0], $0xffff;
	v39 =	vmul.f32 v39, v9;
	_ =	sdelay $0x1  }
0x67: {  	v51 =	vadd.s32 v19, v34;
	v50 =	vshll.u32 v26, $0x3;
	v42 =	vmul.f32 v42, v11;
	v40 =	vld.idx.msk [tilespmem:v40+s5+$0x0], $0xffff;
	[tilespmem:s6+$0x4260] =	vst v39  }
0x68: {  	v26 =	vand.u32 $0x7F, v26;
	v46 =	vand.u32 $0xFFFFFC00, v50;
	v39 =	vor.u32 v33, v51;
	v38 =	vld.idx.msk [tilespmem:v38+s5+$0x0], $0xffff  }
0x69: {  	v26 =	vor.u32 v26, v46;
	v52 =	vadd.s32 v17, v37;
	[tilespmem:s7+$0x4240] =	vst v42  }
0x6a: {  	v53 =	vadd.s32 v26, v45;
	v46 =	vor.u32 v36, v52;
	v43 =	vmul.f32 v43, v13;
	v41 =	vld.idx.msk [tilespmem:v41+s5+$0x0], $0xffff  }
0x6b: {  	s25 =	simm.s32 $0x180;
	s10 =	simm.s32 $0x300;
	v62 =	vand.u32 $0x7F, v29;
	v29 =	vshll.u32 v29, $0x3;
	v42 =	vor.u32 v44, v53  }
0x6c: {  	s10 =	sand.u32 $0x1800, s10;
	s9 =	sand.u32 $0x380, s25;
	v54 =	vadd.s32 v23, v35;
	v29 =	vand.u32 $0xFFFFFC00, v29;
	[tilespmem:s8+$0x4220] =	vst v43;
	v40 =	vmul.f32 v40, v15  }
0x6d: {  	s26 =	simm.s32 $0x4;
	s9 =	sor.u32 s9, s10;
	v29 =	vor.u32 v62, v29;
	v43 =	vor.u32 v32, v54;
	v39 =	vld.idx.msk [tilespmem:v39+s5+$0x0], $0xffff;
	v38 =	vmul.f32 v38, v8  }
0x6e: {  	v56 =	vadd.s32 v20, v34;
	v55 =	vmov s26;
	v47 =	vshll.u32 v28, $0x3;
	[tilespmem:s9+$0x4200] =	vst v40  }
0x6f: {  	v28 =	vand.u32 $0x7F, v28;
	v47 =	vand.u32 $0xFFFFFC00, v47;
	v41 =	vmul.f32 v41, v10;
	v46 =	vld.idx.msk [tilespmem:v46+s5+$0x0], $0xffff;
	[tilespmem:s6+$0x4270] =	vst v38  }
0x70: {  	v48 =	vor.u32 v33, v56;
	v49 =	vadd.s32 v18, v37;
	v28 =	vor.u32 v28, v47;
	v42 =	vld.idx.msk [tilespmem:v42+s5+$0x0], $0xffff  }
0x71: {  	v57 =	vshll.u32 v55, $0x8;
	v49 =	vor.u32 v36, v49;
	v58 =	vadd.s32 v28, v45;
	[tilespmem:s7+$0x4250] =	vst v41  }
0x72: {  	v40 =	vshll.u32 v55, $0x7;
	v43 =	vld.idx.msk [tilespmem:v43+s5+$0x0], $0xffff;
	v38 =	vand.u32 $0x1800, v57;
	v59 =	vmul.f32 v39, v12  }
0x73: {  	v41 =	vor.u32 v44, v58;
	v60 =	vadd.s32 v16, v38;
	v39 =	vand.u32 $0x380, v40  }
0x74: {  	v50 =	vadd.s32 v24, v35;
	v40 =	vor.u32 v39, v60;
	v46 =	vmul.f32 v46, v14;
	[tilespmem:s8+$0x4230] =	vst v59  }
0x75: {  	v61 =	vor.u32 v32, v50;
	v56 =	vadd.s32 v19, v37;
	v47 =	vld.idx.msk [tilespmem:v48+s5+$0x0], $0xffff;
	v42 =	vmul.f32 v42, v7  }
0x76: {  	v50 =	vadd.s32 v29, v45;
	v62 =	vadd.s32 v20, v37;
	v53 =	vadd.s32 v28, v35;
	[tilespmem:s9+$0x4210] =	vst v46  }
0x77: {  	v54 =	vadd.s32 v22, v34;
	v43 =	vmul.f32 v43, v9;
	v63 =	vld.idx.msk [tilespmem:v49+s5+$0x0], $0xffff;
	[tilespmem:s6+$0x4600] =	vst v42  }
0x78: {  	v50 =	vor.u32 v44, v50;
	v53 =	vor.u32 v32, v53;
	v46 =	vor.u32 v33, v54;
	v41 =	vld.idx.msk [tilespmem:v41+s5+$0x0], $0xffff  }
0x79: {  	v55 =	vand.u32 $0x7F, v27;
	v27 =	vshll.u32 v27, $0x3;
	v58 =	vand.u32 $0x7F, v30;
	[tilespmem:s7+$0x4260] =	vst v43;
	v40 =	vld.idx.msk [tilespmem:v40+s5+$0x0], $0xffff  }
0x7a: {  	v30 =	vshll.u32 v30, $0x3;
	v43 =	vor.u32 v36, v56;
	v48 =	vld.idx.msk [tilespmem:v61+s5+$0x0], $0xffff;
	v47 =	vmul.f32 v47, v11  }
0x7b: {  	v27 =	vand.u32 $0xFFFFFC00, v27;
	v30 =	vand.u32 $0xFFFFFC00, v30;
	v51 =	vadd.s32 v17, v38  }
0x7c: {  	v57 =	vadd.s32 v26, v35;
	v51 =	vor.u32 v39, v51;
	[tilespmem:s8+$0x4240] =	vst v47;
	v42 =	vmul.f32 v63, v13  }
0x7d: {  	s28 =	simm.s32 $0x200;
	s11 =	simm.s32 $0x400;
	v27 =	vor.u32 v55, v27;
	v47 =	vor.u32 v32, v57;
	v46 =	vld.idx.msk [tilespmem:v46+s5+$0x0], $0xffff;
	v41 =	vmul.f32 v41, v6  }
0x7e: {  	s11 =	sand.u32 $0x1800, s11;
	s10 =	sand.u32 $0x380, s28;
	v30 =	vor.u32 v58, v30;
	v52 =	vadd.s32 v27, v45;
	v40 =	vmul.f32 v40, v15;
	[tilespmem:s9+$0x4220] =	vst v42  }
0x7f: {  	s10 =	sor.u32 s10, s11;
	v59 =	vadd.s32 v23, v34;
	v48 =	vmul.f32 v48, v8;
	v42 =	vld.idx.msk [tilespmem:v43+s5+$0x0], $0xffff;
	[tilespmem:s6+$0x4610] =	vst v41  }
0x80: {  	s12 =	simm.s32 $0x5;
	v58 =	vshll.u32 v25, $0x3;
	v52 =	vor.u32 v44, v52;
	[tilespmem:s10+$0x4200] =	vst v40;
	v43 =	vor.u32 v33, v59;
	v50 =	vld.idx.msk [tilespmem:v50+s5+$0x0], $0xffff  }
0x81: {  	v60 =	vmov s12;
	v54 =	vadd.s32 v18, v38;
	v56 =	vadd.s32 v22, v37;
	[tilespmem:s7+$0x4270] =	vst v48;
	v51 =	vld.idx.msk [tilespmem:v51+s5+$0x0], $0xffff  }
0x82: {  	v61 =	vshll.u32 v60, $0x7;
	v48 =	vor.u32 v36, v62;
	v47 =	vld.idx.msk [tilespmem:v47+s5+$0x0], $0xffff;
	v46 =	vmul.f32 v46, v10  }
0x83: {  	v40 =	vand.u32 $0x380, v61;
	v59 =	vadd.s32 v24, v34;
	v41 =	vshll.u32 v60, $0x8  }
0x84: {  	v60 =	vand.u32 $0xFFFFFC00, v58;
	[tilespmem:s8+$0x4250] =	vst v46;
	v42 =	vmul.f32 v42, v12;
	v46 =	vor.u32 v39, v54  }
0x85: {  	v61 =	vor.u32 v33, v59;
	v41 =	vand.u32 $0x1800, v41;
	v43 =	vld.idx.msk [tilespmem:v43+s5+$0x0], $0xffff;
	v50 =	vmul.f32 v50, v5  }
0x86: {  	v58 =	vadd.s32 v30, v45;
	v63 =	vadd.s32 v16, v41;
	v57 =	vmul.f32 v51, v14;
	[tilespmem:s9+$0x4230] =	vst v42  }
0x87: {  	v25 =	vand.u32 $0x7F, v25;
	v42 =	vor.u32 v40, v63;
	v47 =	vmul.f32 v47, v7;
	v48 =	vld.idx.msk [tilespmem:v48+s5+$0x0], $0xffff;
	[tilespmem:s6+$0x4620] =	vst v50  }
0x88: {  	v59 =	vadd.s32 v19, v38;
	v25 =	vor.u32 v25, v60;
	[tilespmem:s10+$0x4210] =	vst v57;
	v62 =	vld.idx.msk [tilespmem:v52+s5+$0x0], $0xffff  }
0x89: {  	v60 =	vadd.s32 v29, v35;
	v63 =	vshll.u32 v21, $0x3;
	v21 =	vand.u32 $0x7F, v21;
	[tilespmem:s7+$0x4600] =	vst v47;
	v46 =	vld.idx.msk [tilespmem:v46+s5+$0x0], $0xffff  }
0x8a: {  	v47 =	vor.u32 v36, v56;
	v50 =	vand.u32 $0xFFFFFC00, v63;
	v57 =	vld.idx.msk [tilespmem:v53+s5+$0x0], $0xffff;
	v43 =	vmul.f32 v43, v9  }
0x8b: {  	v53 =	vor.u32 v44, v58;
	v21 =	vor.u32 v21, v50;
	v50 =	vor.u32 v32, v60  }
0x8c: {  	v42 =	vld.idx.msk [tilespmem:v42+s5+$0x0], $0xffff;
	[tilespmem:s8+$0x4260] =	vst v43;
	v48 =	vmul.f32 v48, v11;
	v43 =	vor.u32 v39, v59  }
0x8d: {  	v60 =	vadd.s32 v25, v45;
	v59 =	vadd.s32 v20, v38;
	v51 =	vmul.f32 v62, v4  }
0x8e: {  	s29 =	simm.s32 $0x6;
	v49 =	vld.idx.msk [tilespmem:v61+s5+$0x0], $0xffff;
	v61 =	vadd.s32 v17, v41;
	[tilespmem:s9+$0x4240] =	vst v48;
	v46 =	vmul.f32 v46, v13  }
0x8f: {  	v55 =	vmov s29;
	v54 =	vor.u32 v40, v61;
	v63 =	vmul.f32 v57, v6;
	v47 =	vld.idx.msk [tilespmem:v47+s5+$0x0], $0xffff;
	[tilespmem:s6+$0x4630] =	vst v51  }
0x90: {  	s30 =	simm.s32 $0x280;
	s13 =	simm.s32 $0x500;
	v58 =	vshll.u32 v55, $0x7;
	v62 =	vadd.s32 v26, v34;
	v61 =	vadd.s32 v23, v37;
	[tilespmem:s10+$0x4220] =	vst v46;
	v52 =	vld.idx.msk [tilespmem:v53+s5+$0x0], $0xffff  }
0x91: {  	s13 =	sand.u32 $0x1800, s13;
	s12 =	sand.u32 $0x380, s30;
	v48 =	vor.u32 v33, v62;
	v42 =	vmul.f32 v42, v15;
	[tilespmem:s7+$0x4610] =	vst v63;
	v63 =	vshll.u32 v55, $0x8;
	v56 =	vld.idx.msk [tilespmem:v43+s5+$0x0], $0xffff  }
0x92: {  	s11 =	sor.u32 s12, s13;
	v57 =	vadd.s32 v21, v45;
	v46 =	vor.u32 v44, v60;
	v50 =	vld.idx.msk [tilespmem:v50+s5+$0x0], $0xffff;
	v43 =	vand.u32 $0x1800, v63  }
0x93: {  	v62 =	vmul.f32 v49, v8;
	v49 =	vor.u32 v36, v61;
	[tilespmem:s11+$0x4200] =	vst v42;
	v61 =	vadd.s32 v27, v35  }
0x94: {  	v42 =	vand.u32 $0x380, v58;
	v58 =	vadd.s32 v18, v41;
	v54 =	vld.idx.msk [tilespmem:v54+s5+$0x0], $0xffff;
	v53 =	vor.u32 v32, v61  }
0x95: {  	[tilespmem:s8+$0x4270] =	vst v62;
	v60 =	vmul.f32 v47, v10;
	v47 =	vor.u32 v39, v59;
	v62 =	vadd.s32 v28, v34  }
0x96: {  	v61 =	vadd.s32 v24, v37;
	v48 =	vld.idx.msk [tilespmem:v48+s5+$0x0], $0xffff;
	v55 =	vor.u32 v33, v62;
	v52 =	vmul.f32 v52, v3  }
0x97: {  	[tilespmem:s9+$0x4250] =	vst v60;
	v63 =	vmul.f32 v56, v12;
	v50 =	vmul.f32 v50, v5;
	v60 =	vadd.s32 v16, v43  }
0x98: {  	v49 =	vld.idx.msk [tilespmem:v49+s5+$0x0], $0xffff;
	v62 =	vor.u32 v42, v60;
	v60 =	vadd.s32 v22, v38;
	[tilespmem:s6+$0x4640] =	vst v52  }
0x99: {  	v52 =	vor.u32 v40, v58;
	[tilespmem:s10+$0x4230] =	vst v63;
	v63 =	vand.u32 $0x7F, v31;
	v31 =	vshll.u32 v31, $0x3;
	v46 =	vld.idx.msk [tilespmem:v46+s5+$0x0], $0xffff  }
0x9a: {  	v54 =	vmul.f32 v54, v14;
	[tilespmem:s7+$0x4620] =	vst v50;
	v50 =	vor.u32 v36, v61;
	v47 =	vld.idx.msk [tilespmem:v47+s5+$0x0], $0xffff;
	v31 =	vand.u32 $0xFFFFFC00, v31  }
0x9b: {  	v61 =	vadd.s32 v30, v35;
	v53 =	vld.idx.msk [tilespmem:v53+s5+$0x0], $0xffff;
	v31 =	vor.u32 v63, v31;
	v63 =	vadd.s32 v29, v34  }
0x9c: {  	v48 =	vmul.f32 v48, v7;
	[tilespmem:s11+$0x4210] =	vst v54;
	v54 =	vor.u32 v44, v57;
	v56 =	vor.u32 v33, v63  }
0x9d: {  	v45 =	vadd.s32 v31, v45;
	v63 =	vadd.s32 v23, v38;
	v49 =	vmul.f32 v49, v9;
	v51 =	vld.idx.msk [tilespmem:v62+s5+$0x0], $0xffff  }
0x9e: {  	[tilespmem:s8+$0x4600] =	vst v48;
	v62 =	vadd.s32 v19, v41;
	v48 =	vld.idx.msk [tilespmem:v52+s5+$0x0], $0xffff;
	v52 =	vor.u32 v39, v60  }
0x9f: {  	v55 =	vld.idx.msk [tilespmem:v55+s5+$0x0], $0xffff;
	v46 =	vmul.f32 v46, v2;
	[tilespmem:s9+$0x4260] =	vst v49;
	v49 =	vor.u32 v32, v61  }
0xa0: {  	v45 =	vor.u32 v44, v45;
	v60 =	vadd.s32 v17, v43;
	v47 =	vmul.f32 v47, v11  }
0xa1: {  	v53 =	vmul.f32 v53, v4;
	v50 =	vld.idx.msk [tilespmem:v50+s5+$0x0], $0xffff;
	[tilespmem:s6+$0x4650] =	vst v46;
	v46 =	vor.u32 v40, v62  }
0xa2: {  	v61 =	vadd.s32 v26, v37;
	v57 =	vor.u32 v42, v60;
	[tilespmem:s10+$0x4240] =	vst v47;
	v54 =	vld.idx.msk [tilespmem:v54+s5+$0x0], $0xffff  }
0xa3: {  	[tilespmem:s7+$0x4630] =	vst v53;
	v47 =	vor.u32 v36, v61;
	v48 =	vmul.f32 v48, v13;
	v52 =	vld.idx.msk [tilespmem:v52+s5+$0x0], $0xffff  }
0xa4: {  	s14 =	simm.s32 $0x600;
	s13 =	simm.s32 $0x300;
	v53 =	vor.u32 v39, v63;
	v62 =	vmul.f32 v55, v6;
	v55 =	vadd.s32 v20, v41;
	v49 =	vld.idx.msk [tilespmem:v49+s5+$0x0], $0xffff  }
0xa5: {  	s31 =	sand.u32 $0x1800, s14;
	s15 =	sand.u32 $0x380, s13;
	v63 =	vadd.s32 v18, v43;
	v51 =	vmul.f32 v51, v15;
	v55 =	vor.u32 v40, v55;
	[tilespmem:s11+$0x4220] =	vst v48  }
0xa6: {  	s16 =	simm.s32 $0x7;
	s12 =	sor.u32 s15, s31;
	v48 =	vadd.s32 v25, v35;
	[tilespmem:s8+$0x4610] =	vst v62;
	v58 =	vld.idx.msk [tilespmem:v46+s5+$0x0], $0xffff;
	v46 =	vmul.f32 v50, v8  }
0xa7: {  	[tilespmem:s12+$0x4200] =	vst v51;
	v50 =	vmov s16;
	v59 =	vld.idx.msk [tilespmem:v56+s5+$0x0], $0xffff;
	v61 =	vor.u32 v32, v48;
	v54 =	vmul.f32 v54, v1  }
0xa8: {  	v62 =	vadd.s32 v27, v34;
	v56 =	vld.idx.msk [tilespmem:v57+s5+$0x0], $0xffff;
	v51 =	vshll.u32 v50, $0x7;
	[tilespmem:s9+$0x4270] =	vst v46;
	v57 =	vmul.f32 v52, v10  }
0xa9: {  	v48 =	vor.u32 v33, v62;
	v44 =	vand.u32 $0x380, v51;
	v51 =	vld.idx.msk [tilespmem:v47+s5+$0x0], $0xffff;
	[tilespmem:s6+$0x4660] =	vst v54;
	v49 =	vmul.f32 v49, v3  }
0xaa: {  	v52 =	vadd.s32 v28, v37;
	v47 =	vadd.s32 v21, v35;
	v46 =	vld.idx.msk [tilespmem:v45+s5+$0x0], $0xffff;
	[tilespmem:s10+$0x4250] =	vst v57  }
0xab: {  	v60 =	vshll.u32 v50, $0x8;
	v54 =	vadd.s32 v24, v38;
	v57 =	vmul.f32 v58, v12;
	v53 =	vld.idx.msk [tilespmem:v53+s5+$0x0], $0xffff;
	[tilespmem:s7+$0x4640] =	vst v49  }
0xac: {  	s3 =	sadd.s32 $0xA00, s3;
	s15 =	simm.s32 $0x8;
	v45 =	vand.u32 $0x1800, v60;
	v58 =	vor.u32 v42, v63;
	v50 =	vmul.f32 v59, v5;
	v49 =	vld.idx.msk [tilespmem:v61+s5+$0x0], $0xffff  }
.LBB2_1:
0xad: {  	p0 =	sne.s32 s15, $0x1F;
	v59 =	vadd.s32 v16, v45;
	v56 =	vmul.f32 v56, v14;
	[tilespmem:s11+$0x4230] =	vst v57;
	v52 =	vor.u32 v36, v52  }
0xae: {  	v51 =	vmul.f32 v51, v7;
	v57 =	vor.u32 v44, v59;
	v55 =	vld.idx.msk [tilespmem:v55+s5+$0x0], $0xffff;
	[tilespmem:s8+$0x4620] =	vst v50;
	v50 =	vmov v39  }
0xaf: {  	v46 =	vmul.f32 v46, v0;
	v39 =	vmov v40;
	[tilespmem:s12+$0x4210] =	vst v56;
	v54 =	vor.u32 v50, v54;
	v48 =	vld.idx.msk [tilespmem:v48+s5+$0x0], $0xffff  }
0xb0: {  	v47 =	vor.u32 v32, v47;
	v40 =	vmovc v42;
	v42 =	vmovc v44;
	v44 =	vmov v35;
	v35 =	vmov v34;
	[tilespmem:s9+$0x4600] =	vst v51  }
0xb1: {  	v34 =	vmov v37;
	v56 =	vadd.s32 v22, v41;
	v53 =	vmul.f32 v53, v9;
	v51 =	vld.idx.msk [tilespmem:v58+s5+$0x0], $0xffff;
	[tilespmem:s6+$0x4670] =	vst v46;
	s6 =	smov.u32 s7;
	s7 =	smov.u32 s8;
	s8 =	smov.u32 s9  }
0xb2: {  	v46 =	vor.u32 v39, v56;
	v58 =	vadd.s32 v30, v35;
	v49 =	vmul.f32 v49, v2;
	s9 =	smov.u32 s10;
	s10 =	smov.u32 s11;
	s11 =	smov.u32 s12;
	v52 =	vld.idx.msk [tilespmem:v52+s5+$0x0], $0xffff  }
0xb3: {  	v37 =	vmovc v38;
	v38 =	vmov v41;
	v41 =	vmov v43;
	v56 =	vld.idx.msk [tilespmem:v57+s5+$0x0], $0xffff;
	[tilespmem:s9+$0x4260] =	vst v53;
	v53 =	vor.u32 v33, v58  }
0xb4: {  	v43 =	vmov v45;
	v57 =	vadd.s32 v19, v41;
	v55 =	vmul.f32 v55, v11;
	v54 =	vld.idx.msk [tilespmem:v54+s5+$0x0], $0xffff;
	[tilespmem:s6+$0x4650] =	vst v49  }
0xb5: {  	v45 =	vor.u32 v40, v57;
	v49 =	vadd.s32 v29, v34;
	v48 =	vmul.f32 v48, v4;
	v47 =	vld.idx.msk [tilespmem:v47+s5+$0x0], $0xffff  }
0xb6: {  	v57 =	vadd.s32 v17, v43;
	v49 =	vor.u32 v36, v49;
	[tilespmem:s10+$0x4240] =	vst v55;
	v55 =	vadd.s32 v26, v37  }
0xb7: {  	v57 =	vor.u32 v42, v57;
	v51 =	vmul.f32 v51, v13;
	v46 =	vld.idx.msk [tilespmem:v46+s5+$0x0], $0xffff;
	[tilespmem:s7+$0x4630] =	vst v48  }
0xb8: {  	s13 =	sadd.s32 $0x80, s13;
	s14 =	sadd.s32 $0x100, s14;
	v44 =	vadd.s32 v31, v44;
	v48 =	vor.u32 v50, v55;
	v52 =	vmul.f32 v52, v6;
	v53 =	vld.idx.msk [tilespmem:v53+s5+$0x0], $0xffff  }
0xb9: {  	s16 =	sand.u32 $0x380, s13;
	s12 =	sand.u32 $0x1800, s14;
	v58 =	vor.u32 v32, v44;
	v55 =	vmul.f32 v56, v15;
	[tilespmem:s11+$0x4220] =	vst v51;
	v51 =	vadd.s32 v25, v35  }
0xba: {  	s12 =	sor.u32 s16, s12;
	v44 =	vadd.s32 v23, v38;
	v32 =	vmov v33;
	v59 =	vld.idx.msk [tilespmem:v45+s5+$0x0], $0xffff;
	v45 =	vmul.f32 v54, v8;
	[tilespmem:s8+$0x4610] =	vst v52  }
0xbb: {  	v33 =	vmovc v36;
	v52 =	vmov s15;
	v54 =	vor.u32 v39, v44;
	v47 =	vmul.f32 v47, v1;
	[tilespmem:s12+$0x4200] =	vst v55;
	v49 =	vld.idx.msk [tilespmem:v49+s5+$0x0], $0xffff  }
0xbc: {  	v36 =	vmovc v50;
	v61 =	vor.u32 v32, v51;
	v60 =	vshll.u32 v52, $0x8;
	v44 =	vshll.u32 v52, $0x7;
	v56 =	vld.idx.msk [tilespmem:v57+s5+$0x0], $0xffff;
	[tilespmem:s9+$0x4270] =	vst v45  }
.Ltmp0:
0xbd: {  	v44 =	vand.u32 $0x380, v44;
	v45 =	vadd.s32 v20, v41;
	v50 =	vmul.f32 v46, v10;
	v51 =	vld.idx.msk [tilespmem:v48+s5+$0x0], $0xffff;
	[tilespmem:s6+$0x4660] =	vst v47;
	(pc) =	sbr.rel @p0 .LBB2_1-.Ltmp0, $4  }
0xbe: {  	v55 =	vor.u32 v40, v45;
	v45 =	vadd.s32 v27, v34;
	v62 =	vmul.f32 v53, v3;
	v46 =	vld.idx.msk [tilespmem:v58+s5+$0x0], $0xffff  }
0xbf: {  	v52 =	vadd.s32 v28, v37;
	v47 =	vadd.s32 v21, v35;
	v48 =	vor.u32 v33, v45;
	[tilespmem:s10+$0x4250] =	vst v50  }
0xc0: {  	v45 =	vand.u32 $0x1800, v60;
	v50 =	vadd.s32 v18, v43;
	v57 =	vmul.f32 v59, v12;
	v53 =	vld.idx.msk [tilespmem:v54+s5+$0x0], $0xffff;
	[tilespmem:s7+$0x4640] =	vst v62  }
0xc1: {  	s15 =	sadd.s32 $0x1, s15;
	v58 =	vor.u32 v42, v50;
	v54 =	vadd.s32 v24, v38;
	v50 =	vmul.f32 v49, v5;
	v49 =	vld.idx.msk [tilespmem:v61+s5+$0x0], $0xffff  }
0xc2: {  	v59 =	vadd.s32 v16, v45  }
0xc3: {  	v59 =	vor.u32 v44, v59;
	_ =	sdelay $0x4  }
0xc4: {  	v59 =	vld.idx.msk [tilespmem:v59+s5+$0x0], $0xffff;
	_ =	sdelay $0x1  }
0xc5: {  	v60 =	vadd.s32 v17, v45  }
0xc6: {  	v60 =	vor.u32 v44, v60  }
0xc7: {  	s13 =	sadd.s32 $0x80, s13;
	s14 =	sadd.s32 $0x100, s14  }
0xc8: {  	s14 =	sand.u32 $0x1800, s14;
	s13 =	sand.u32 $0x380, s13;
	v59 =	vmul.f32 v59, v15  }
0xc9: {  	s13 =	sor.u32 s13, s14  }
0xca: {  	[tilespmem:s13+$0x4200] =	vst v59  }
0xcb: {  	v59 =	vld.idx.msk [tilespmem:v60+s5+$0x0], $0xffff;
	_ =	sdelay $0x1  }
0xcc: {  	v60 =	vadd.s32 v18, v45  }
0xcd: {  	v60 =	vor.u32 v44, v60  }
0xce: {  	v56 =	vmul.f32 v56, v14  }
0xcf: {  	v59 =	vmul.f32 v59, v14  }
0xd0: {  	[tilespmem:s12+$0x4210] =	vst v56  }
0xd1: {  	v56 =	vld.idx.msk [tilespmem:v58+s5+$0x0], $0xffff;
	[tilespmem:s13+$0x4210] =	vst v59  }
0xd2: {  	v58 =	vld.idx.msk [tilespmem:v60+s5+$0x0], $0xffff  }
0xd3: {  	v60 =	vadd.s32 v19, v43  }
0xd4: {  	v59 =	vor.u32 v42, v60;
	v60 =	vadd.s32 v19, v45  }
0xd5: {  	v60 =	vor.u32 v44, v60  }
0xd6: {  	v56 =	vmul.f32 v56, v13  }
0xd7: {  	v58 =	vmul.f32 v58, v13  }
0xd8: {  	[tilespmem:s12+$0x4220] =	vst v56  }
0xd9: {  	v56 =	vld.idx.msk [tilespmem:v59+s5+$0x0], $0xffff;
	[tilespmem:s13+$0x4220] =	vst v58  }
0xda: {  	v58 =	vld.idx.msk [tilespmem:v60+s5+$0x0], $0xffff  }
0xdb: {  	v61 =	vadd.s32 v20, v43  }
0xdc: {  	v59 =	vor.u32 v42, v61;
	v60 =	vadd.s32 v20, v45  }
0xdd: {  	v60 =	vor.u32 v44, v60  }
0xde: {  	v56 =	vmul.f32 v56, v12  }
0xdf: {  	[tilespmem:s11+$0x4230] =	vst v57;
	v62 =	vmul.f32 v58, v12  }
0xe0: {  	v55 =	vld.idx.msk [tilespmem:v55+s5+$0x0], $0xffff;
	[tilespmem:s12+$0x4230] =	vst v56  }
0xe1: {  	v56 =	vld.idx.msk [tilespmem:v59+s5+$0x0], $0xffff;
	[tilespmem:s13+$0x4230] =	vst v62  }
0xe2: {  	v63 =	vadd.s32 v22, v41;
	v58 =	vld.idx.msk [tilespmem:v60+s5+$0x0], $0xffff  }
0xe3: {  	v57 =	vor.u32 v40, v63;
	v61 =	vadd.s32 v22, v43  }
0xe4: {  	v59 =	vor.u32 v42, v61;
	v60 =	vadd.s32 v22, v45  }
0xe5: {  	v55 =	vmul.f32 v55, v11;
	v60 =	vor.u32 v44, v60  }
0xe6: {  	v56 =	vmul.f32 v56, v11  }
0xe7: {  	[tilespmem:s11+$0x4240] =	vst v55;
	v62 =	vmul.f32 v58, v11  }
0xe8: {  	v57 =	vld.idx.msk [tilespmem:v57+s5+$0x0], $0xffff;
	[tilespmem:s12+$0x4240] =	vst v56  }
0xe9: {  	v56 =	vld.idx.msk [tilespmem:v59+s5+$0x0], $0xffff;
	[tilespmem:s13+$0x4240] =	vst v62  }
0xea: {  	v63 =	vadd.s32 v23, v41;
	v58 =	vld.idx.msk [tilespmem:v60+s5+$0x0], $0xffff  }
0xeb: {  	v55 =	vor.u32 v40, v63;
	v61 =	vadd.s32 v23, v43  }
0xec: {  	v59 =	vor.u32 v42, v61;
	v60 =	vadd.s32 v23, v45  }
0xed: {  	v57 =	vmul.f32 v57, v10;
	v60 =	vor.u32 v44, v60  }
0xee: {  	v56 =	vmul.f32 v56, v10  }
0xef: {  	[tilespmem:s11+$0x4250] =	vst v57;
	v62 =	vmul.f32 v58, v10  }
0xf0: {  	v55 =	vld.idx.msk [tilespmem:v55+s5+$0x0], $0xffff;
	[tilespmem:s12+$0x4250] =	vst v56  }
0xf1: {  	v56 =	vld.idx.msk [tilespmem:v59+s5+$0x0], $0xffff;
	[tilespmem:s13+$0x4250] =	vst v62  }
0xf2: {  	v54 =	vor.u32 v39, v54;
	v63 =	vadd.s32 v24, v41;
	v58 =	vld.idx.msk [tilespmem:v60+s5+$0x0], $0xffff  }
0xf3: {  	v57 =	vor.u32 v40, v63;
	v60 =	vadd.s32 v24, v43  }
0xf4: {  	v53 =	vmul.f32 v53, v9;
	v59 =	vor.u32 v42, v60;
	v60 =	vadd.s32 v24, v45  }
0xf5: {  	v55 =	vmul.f32 v55, v9;
	v60 =	vor.u32 v44, v60  }
0xf6: {  	[tilespmem:s10+$0x4260] =	vst v53;
	v61 =	vmul.f32 v56, v9  }
0xf7: {  	v54 =	vld.idx.msk [tilespmem:v54+s5+$0x0], $0xffff;
	[tilespmem:s11+$0x4260] =	vst v55;
	v62 =	vmul.f32 v58, v9  }
0xf8: {  	v56 =	vld.idx.msk [tilespmem:v57+s5+$0x0], $0xffff;
	[tilespmem:s12+$0x4260] =	vst v61  }
0xf9: {  	v63 =	vadd.s32 v26, v38;
	v57 =	vld.idx.msk [tilespmem:v59+s5+$0x0], $0xffff;
	[tilespmem:s13+$0x4260] =	vst v62  }
0xfa: {  	v53 =	vor.u32 v39, v63;
	v61 =	vadd.s32 v26, v41;
	v58 =	vld.idx.msk [tilespmem:v60+s5+$0x0], $0xffff  }
0xfb: {  	v55 =	vor.u32 v40, v61;
	v62 =	vadd.s32 v26, v43  }
0xfc: {  	v54 =	vmul.f32 v54, v8;
	v59 =	vor.u32 v42, v62;
	v60 =	vadd.s32 v26, v45  }
0xfd: {  	v56 =	vmul.f32 v56, v8;
	v60 =	vor.u32 v44, v60  }
0xfe: {  	[tilespmem:s10+$0x4270] =	vst v54;
	v63 =	vmul.f32 v57, v8  }
0xff: {  	v53 =	vld.idx.msk [tilespmem:v53+s5+$0x0], $0xffff;
	[tilespmem:s11+$0x4270] =	vst v56;
	v61 =	vmul.f32 v58, v8  }
0x100: {  	v55 =	vld.idx.msk [tilespmem:v55+s5+$0x0], $0xffff;
	[tilespmem:s12+$0x4270] =	vst v63  }
0x101: {  	v52 =	vor.u32 v36, v52;
	v62 =	vadd.s32 v28, v38;
	v57 =	vld.idx.msk [tilespmem:v59+s5+$0x0], $0xffff;
	[tilespmem:s13+$0x4270] =	vst v61  }
0x102: {  	v54 =	vor.u32 v39, v62;
	v63 =	vadd.s32 v28, v41;
	v58 =	vld.idx.msk [tilespmem:v60+s5+$0x0], $0xffff  }
0x103: {  	v51 =	vmul.f32 v51, v7;
	v56 =	vor.u32 v40, v63;
	v61 =	vadd.s32 v28, v43  }
0x104: {  	v53 =	vmul.f32 v53, v7;
	v59 =	vor.u32 v42, v61;
	v60 =	vadd.s32 v28, v45  }
0x105: {  	[tilespmem:s9+$0x4600] =	vst v51;
	v62 =	vmul.f32 v55, v7;
	v55 =	vor.u32 v44, v60  }
0x106: {  	v52 =	vld.idx.msk [tilespmem:v52+s5+$0x0], $0xffff;
	[tilespmem:s10+$0x4600] =	vst v53;
	v63 =	vmul.f32 v57, v7  }
0x107: {  	v54 =	vld.idx.msk [tilespmem:v54+s5+$0x0], $0xffff;
	[tilespmem:s11+$0x4600] =	vst v62;
	v60 =	vmul.f32 v58, v7  }
0x108: {  	v61 =	vadd.s32 v29, v37;
	v56 =	vld.idx.msk [tilespmem:v56+s5+$0x0], $0xffff;
	[tilespmem:s12+$0x4600] =	vst v63  }
0x109: {  	v53 =	vor.u32 v36, v61;
	v62 =	vadd.s32 v29, v38;
	v58 =	vld.idx.msk [tilespmem:v59+s5+$0x0], $0xffff;
	[tilespmem:s13+$0x4600] =	vst v60  }
0x10a: {  	v51 =	vor.u32 v39, v62;
	v63 =	vadd.s32 v29, v41;
	v55 =	vld.idx.msk [tilespmem:v55+s5+$0x0], $0xffff  }
0x10b: {  	v52 =	vmul.f32 v52, v6;
	v57 =	vor.u32 v40, v63;
	v60 =	vadd.s32 v29, v43  }
0x10c: {  	v54 =	vmul.f32 v54, v6;
	v59 =	vor.u32 v42, v60;
	v60 =	vadd.s32 v29, v45  }
0x10d: {  	[tilespmem:s9+$0x4610] =	vst v52;
	v61 =	vmul.f32 v56, v6;
	v56 =	vor.u32 v44, v60  }
0x10e: {  	[tilespmem:s10+$0x4610] =	vst v54;
	v53 =	vld.idx.msk [tilespmem:v53+s5+$0x0], $0xffff;
	v62 =	vmul.f32 v58, v6  }
0x10f: {  	v51 =	vld.idx.msk [tilespmem:v51+s5+$0x0], $0xffff;
	[tilespmem:s11+$0x4610] =	vst v61;
	v63 =	vmul.f32 v55, v6  }
0x110: {  	v60 =	vadd.s32 v27, v37;
	v57 =	vld.idx.msk [tilespmem:v57+s5+$0x0], $0xffff;
	[tilespmem:s12+$0x4610] =	vst v62  }
0x111: {  	v54 =	vor.u32 v36, v60;
	v61 =	vadd.s32 v27, v38;
	v58 =	vld.idx.msk [tilespmem:v59+s5+$0x0], $0xffff;
	[tilespmem:s13+$0x4610] =	vst v63  }
0x112: {  	v49 =	vmul.f32 v49, v2;
	v52 =	vor.u32 v39, v61;
	v62 =	vadd.s32 v27, v41;
	v56 =	vld.idx.msk [tilespmem:v56+s5+$0x0], $0xffff  }
0x113: {  	[tilespmem:s8+$0x4620] =	vst v50;
	v59 =	vadd.s32 v27, v43;
	v63 =	vmul.f32 v53, v5;
	v53 =	vor.u32 v40, v62  }
0x114: {  	[tilespmem:s7+$0x4650] =	vst v49;
	v61 =	vadd.s32 v27, v45;
	v60 =	vmul.f32 v51, v5;
	v51 =	vor.u32 v42, v59  }
0x115: {  	v48 =	vld.idx.msk [tilespmem:v48+s5+$0x0], $0xffff;
	v55 =	vor.u32 v44, v61;
	v62 =	vmul.f32 v57, v5;
	[tilespmem:s9+$0x4620] =	vst v63  }
0x116: {  	v47 =	vor.u32 v32, v47;
	[tilespmem:s10+$0x4620] =	vst v60;
	v54 =	vld.idx.msk [tilespmem:v54+s5+$0x0], $0xffff;
	v63 =	vmul.f32 v58, v5  }
0x117: {  	v60 =	vadd.s32 v30, v34;
	v52 =	vld.idx.msk [tilespmem:v52+s5+$0x0], $0xffff;
	[tilespmem:s11+$0x4620] =	vst v62;
	v61 =	vmul.f32 v56, v5  }
0x118: {  	v62 =	vadd.s32 v30, v37;
	v53 =	vld.idx.msk [tilespmem:v53+s5+$0x0], $0xffff;
	v56 =	vor.u32 v33, v60;
	[tilespmem:s12+$0x4620] =	vst v63  }
0x119: {  	v49 =	vor.u32 v36, v62;
	v63 =	vadd.s32 v30, v38;
	v51 =	vld.idx.msk [tilespmem:v51+s5+$0x0], $0xffff;
	[tilespmem:s13+$0x4620] =	vst v61  }
0x11a: {  	v48 =	vmul.f32 v48, v4;
	v60 =	vadd.s32 v30, v41;
	v50 =	vor.u32 v39, v63;
	v55 =	vld.idx.msk [tilespmem:v55+s5+$0x0], $0xffff  }
0x11b: {  	v47 =	vld.idx.msk [tilespmem:v47+s5+$0x0], $0xffff;
	v57 =	vor.u32 v40, v60;
	v54 =	vmul.f32 v54, v4;
	v61 =	vadd.s32 v30, v43  }
0x11c: {  	[tilespmem:s8+$0x4630] =	vst v48;
	v62 =	vmul.f32 v52, v4;
	v63 =	vadd.s32 v30, v45;
	v52 =	vor.u32 v42, v61  }
0x11d: {  	[tilespmem:s9+$0x4630] =	vst v54;
	v53 =	vmul.f32 v53, v4;
	v54 =	vor.u32 v44, v63;
	v56 =	vld.idx.msk [tilespmem:v56+s5+$0x0], $0xffff  }
0x11e: {  	v35 =	vadd.s32 v31, v35;
	[tilespmem:s10+$0x4630] =	vst v62;
	v49 =	vld.idx.msk [tilespmem:v49+s5+$0x0], $0xffff;
	v60 =	vmul.f32 v51, v4  }
0x11f: {  	v61 =	vadd.s32 v25, v34;
	v50 =	vld.idx.msk [tilespmem:v50+s5+$0x0], $0xffff;
	[tilespmem:s11+$0x4630] =	vst v53;
	v62 =	vmul.f32 v55, v4  }
0x120: {  	v63 =	vadd.s32 v25, v37;
	v51 =	vor.u32 v33, v61;
	v57 =	vld.idx.msk [tilespmem:v57+s5+$0x0], $0xffff;
	[tilespmem:s12+$0x4630] =	vst v60  }
0x121: {  	v59 =	vadd.s32 v25, v38;
	v48 =	vor.u32 v36, v63;
	v52 =	vld.idx.msk [tilespmem:v52+s5+$0x0], $0xffff;
	[tilespmem:s13+$0x4630] =	vst v62  }
0x122: {  	v61 =	vadd.s32 v25, v41;
	v55 =	vor.u32 v39, v59;
	v60 =	vmul.f32 v56, v3;
	v54 =	vld.idx.msk [tilespmem:v54+s5+$0x0], $0xffff  }
0x123: {  	v49 =	vmul.f32 v49, v3;
	v56 =	vor.u32 v40, v61;
	v62 =	vadd.s32 v25, v43  }
0x124: {  	v63 =	vadd.s32 v25, v45;
	v50 =	vmul.f32 v50, v3;
	v53 =	vor.u32 v42, v62;
	[tilespmem:s8+$0x4640] =	vst v60  }
0x125: {  	[tilespmem:s9+$0x4640] =	vst v49;
	v60 =	vmul.f32 v57, v3;
	v57 =	vor.u32 v44, v63;
	v51 =	vld.idx.msk [tilespmem:v51+s5+$0x0], $0xffff  }
0x126: {  	v47 =	vmul.f32 v47, v1;
	v48 =	vld.idx.msk [tilespmem:v48+s5+$0x0], $0xffff;
	[tilespmem:s10+$0x4640] =	vst v50;
	v61 =	vmul.f32 v52, v3  }
0x127: {  	v62 =	vadd.s32 v21, v34;
	v55 =	vld.idx.msk [tilespmem:v55+s5+$0x0], $0xffff;
	[tilespmem:s11+$0x4640] =	vst v60;
	v63 =	vmul.f32 v54, v3  }
0x128: {  	v52 =	vor.u32 v33, v62;
	v60 =	vadd.s32 v21, v37;
	v56 =	vld.idx.msk [tilespmem:v56+s5+$0x0], $0xffff;
	[tilespmem:s12+$0x4640] =	vst v61  }
0x129: {  	v50 =	vor.u32 v36, v60;
	v61 =	vadd.s32 v21, v38;
	v53 =	vld.idx.msk [tilespmem:v53+s5+$0x0], $0xffff;
	[tilespmem:s13+$0x4640] =	vst v63  }
0x12a: {  	v62 =	vmul.f32 v51, v2;
	v51 =	vor.u32 v39, v61;
	v63 =	vadd.s32 v21, v41;
	v57 =	vld.idx.msk [tilespmem:v57+s5+$0x0], $0xffff  }
0x12b: {  	[tilespmem:s7+$0x4660] =	vst v47;
	v60 =	vadd.s32 v21, v43;
	v59 =	vmul.f32 v48, v2;
	v48 =	vor.u32 v40, v63  }
0x12c: {  	v54 =	vor.u32 v42, v60;
	v61 =	vmul.f32 v55, v2;
	[tilespmem:s8+$0x4650] =	vst v62;
	v62 =	vadd.s32 v21, v45  }
0x12d: {  	[tilespmem:s9+$0x4650] =	vst v59;
	v63 =	vmul.f32 v56, v2;
	v52 =	vld.idx.msk [tilespmem:v52+s5+$0x0], $0xffff;
	v55 =	vor.u32 v44, v62  }
0x12e: {  	v32 =	vor.u32 v32, v35;
	v35 =	vld.idx.msk [tilespmem:v50+s5+$0x0], $0xffff;
	[tilespmem:s10+$0x4650] =	vst v61;
	v56 =	vmul.f32 v53, v2  }
0x12f: {  	v58 =	vadd.s32 v31, v34;
	[tilespmem:s11+$0x4650] =	vst v63;
	v59 =	vld.idx.msk [tilespmem:v51+s5+$0x0], $0xffff;
	v60 =	vmul.f32 v57, v2  }
0x130: {  	v61 =	vor.u32 v33, v58;
	v62 =	vadd.s32 v31, v37;
	v63 =	vld.idx.msk [tilespmem:v48+s5+$0x0], $0xffff;
	[tilespmem:s12+$0x4650] =	vst v56  }
0x131: {  	v34 =	vor.u32 v36, v62;
	v48 =	vadd.s32 v31, v38;
	v49 =	vld.idx.msk [tilespmem:v54+s5+$0x0], $0xffff;
	[tilespmem:s13+$0x4650] =	vst v60  }
0x132: {  	v36 =	vor.u32 v39, v48;
	v51 =	vmul.f32 v52, v1;
	v52 =	vadd.s32 v31, v41;
	v53 =	vld.idx.msk [tilespmem:v55+s5+$0x0], $0xffff  }
0x133: {  	v32 =	vld.idx.msk [tilespmem:v32+s5+$0x0], $0xffff;
	v54 =	vadd.s32 v31, v43;
	v35 =	vmul.f32 v35, v1;
	v39 =	vor.u32 v40, v52  }
0x134: {  	v56 =	vadd.s32 v31, v45;
	v40 =	vor.u32 v42, v54;
	[tilespmem:s8+$0x4660] =	vst v51;
	v55 =	vmul.f32 v59, v1  }
0x135: {  	v58 =	vor.u32 v44, v56;
	[tilespmem:s9+$0x4660] =	vst v35;
	v33 =	vld.idx.msk [tilespmem:v61+s5+$0x0], $0xffff;
	v57 =	vmul.f32 v63, v1  }
0x136: {  	v34 =	vld.idx.msk [tilespmem:v34+s5+$0x0], $0xffff;
	[tilespmem:s10+$0x4660] =	vst v55;
	v38 =	vmul.f32 v49, v1  }
0x137: {  	v36 =	vld.idx.msk [tilespmem:v36+s5+$0x0], $0xffff;
	[tilespmem:s11+$0x4660] =	vst v57;
	v59 =	vmul.f32 v53, v1  }
0x138: {  	v32 =	vmul.f32 v32, v0;
	v39 =	vld.idx.msk [tilespmem:v39+s5+$0x0], $0xffff;
	[tilespmem:s12+$0x4660] =	vst v38  }
0x139: {  	v60 =	vmul.f32 v46, v0;
	v38 =	vld.idx.msk [tilespmem:v40+s5+$0x0], $0xffff;
	[tilespmem:s13+$0x4660] =	vst v59  }
0x13a: {  	[tilespmem:s7+$0x4670] =	vst v32;
	v33 =	vmul.f32 v33, v0;
	v35 =	vld.idx.msk [tilespmem:v58+s5+$0x0], $0xffff  }
0x13b: {  	[tilespmem:s6+$0x4670] =	vst v60;
	v61 =	vmul.f32 v34, v0  }
0x13c: {  	[tilespmem:s8+$0x4670] =	vst v33;
	v62 =	vmul.f32 v36, v0  }
0x13d: {  	[tilespmem:s9+$0x4670] =	vst v61;
	v63 =	vmul.f32 v39, v0  }
0x13e: {  	s31 =	simm.s32 $0x0;
	[tilespmem:s10+$0x4670] =	vst v62;
	v36 =	vmul.f32 v38, v0  }
0x13f: {  	v38 =	vmov s31;
	[tilespmem:s11+$0x4670] =	vst v63;
	v37 =	vmul.f32 v35, v0  }
0x140: {  	v39 =	vshll.u32 v38, $0x8;
	[tilespmem:s12+$0x4670] =	vst v36  }
0x141: {  	s8 =	sadd.s32 s3, s2;
	s9 =	simm.s32 $0x4200;
	v33 =	vshll.u32 v38, $0x7;
	v45 =	vand.u32 $0x1800, v39;
	[tilespmem:s13+$0x4670] =	vst v37  }
0x142: {  	v44 =	vand.u32 $0x380, v33;
	v32 =	vadd.s32 v16, v45;
	[hbm4b:s8+s31] =	stream.linear.scatter [tilespmem:s9], [sflag:$0x3], $0x2000, $0x38;
	[tilespmem:$0x8200] =	vst v63  }
0x143: {  	s10 =	simm.s32 $0x200;
	s11 =	simm.s32 $0x2;
	v32 =	vor.u32 v44, v32  }
0x144: {  	[tilespmem:s10], [sflag:$0x1] =	stream.linear.gather [hbm4b:s4+s31], $0x2000, $0x38;
	[tilespmem:$0x8200] =	vst v63  }
0x145: {  	_ =	swait.ge [sflag:s11], $0x2000  }
0x146: {  	[sflag:s11] =	ssyncset.done $0x0  }
0x147: {  	s4 =	simm.s32 $0x2200;
	[sflag:s11] =	ssyncadd.s32 $0xFFFFE000  }
0x148: {  	v32 =	vld.idx.msk [tilespmem:v32+s4+$0x0], $0xffff;
	_ =	sdelay $0x1  }
0x149: {  	v40 =	vadd.s32 v17, v45  }
0x14a: {  	v33 =	vor.u32 v44, v40;
	_ =	sdelay $0x1  }
0x14b: {  	s5 =	sand.u32 $0x380, s31;
	s12 =	sand.u32 $0x1800, s31;
	v32 =	vmul.f32 v32, v15  }
0x14c: {  	s5 =	sor.u32 s5, s12  }
0x14d: {  	[tilespmem:s5+$0x6200] =	vst v32  }
0x14e: {  	s13 =	simm.s32 $0x1;
	v33 =	vld.idx.msk [tilespmem:v33+s4+$0x0], $0xffff  }
0x14f: {  	v41 =	vmov s13  }
0x150: {  	v43 =	vadd.s32 v18, v45;
	v42 =	vshll.u32 v41, $0x8  }
0x151: {  	v46 =	vor.u32 v44, v43;
	v35 =	vand.u32 $0x1800, v42;
	v32 =	vshll.u32 v41, $0x7  }
0x152: {  	v47 =	vadd.s32 v16, v35;
	v32 =	vand.u32 $0x380, v32  }
0x153: {  	v36 =	vor.u32 v32, v47;
	v33 =	vmul.f32 v33, v14;
	_ =	sdelay $0x1  }
0x154: {  	[tilespmem:s5+$0x6210] =	vst v33  }
0x155: {  	v33 =	vld.idx.msk [tilespmem:v46+s4+$0x0], $0xffff;
	_ =	sdelay $0x1  }
0x156: {  	v49 =	vadd.s32 v19, v45;
	v48 =	vld.idx.msk [tilespmem:v36+s4+$0x0], $0xffff  }
0x157: {  	v36 =	vor.u32 v44, v49  }
0x158: {  	v50 =	vadd.s32 v17, v35  }
0x159: {  	v37 =	vor.u32 v32, v50;
	v33 =	vmul.f32 v33, v13  }
0x15a: {  	s15 =	simm.s32 $0x100;
	s14 =	simm.s32 $0x80  }
0x15b: {  	s7 =	sand.u32 $0x1800, s15;
	s6 =	sand.u32 $0x380, s14;
	v34 =	vmul.f32 v48, v15;
	[tilespmem:s5+$0x6220] =	vst v33  }
0x15c: {  	s6 =	sor.u32 s6, s7;
	v33 =	vld.idx.msk [tilespmem:v36+s4+$0x0], $0xffff  }
0x15d: {  	[tilespmem:s6+$0x6200] =	vst v34  }
0x15e: {  	v52 =	vadd.s32 v20, v45;
	v51 =	vld.idx.msk [tilespmem:v37+s4+$0x0], $0xffff  }
0x15f: {  	s16 =	simm.s32 $0x2;
	v53 =	vor.u32 v44, v52  }
0x160: {  	v54 =	vmov s16;
	v55 =	vadd.s32 v18, v35  }
0x161: {  	v56 =	vshll.u32 v54, $0x8;
	v38 =	vor.u32 v32, v55;
	v57 =	vmul.f32 v33, v12  }
0x162: {  	v58 =	vshll.u32 v54, $0x7;
	v34 =	vand.u32 $0x1800, v56  }
0x163: {  	v39 =	vadd.s32 v16, v34;
	v36 =	vmul.f32 v51, v14;
	v33 =	vand.u32 $0x380, v58;
	[tilespmem:s5+$0x6230] =	vst v57  }
0x164: {  	v39 =	vor.u32 v33, v39;
	v37 =	vld.idx.msk [tilespmem:v53+s4+$0x0], $0xffff  }
0x165: {  	[tilespmem:s6+$0x6210] =	vst v36  }
0x166: {  	v59 =	vadd.s32 v22, v45;
	v36 =	vld.idx.msk [tilespmem:v38+s4+$0x0], $0xffff  }
0x167: {  	v38 =	vor.u32 v44, v59  }
0x168: {  	v60 =	vadd.s32 v19, v35  }
0x169: {  	v40 =	vor.u32 v32, v60;
	v39 =	vld.idx.msk [tilespmem:v39+s4+$0x0], $0xffff;
	v37 =	vmul.f32 v37, v11;
	_ =	sdelay $0x1  }
0x16a: {  	v61 =	vadd.s32 v17, v34;
	v36 =	vmul.f32 v36, v13;
	[tilespmem:s5+$0x6240] =	vst v37  }
0x16b: {  	v62 =	vor.u32 v33, v61;
	v38 =	vld.idx.msk [tilespmem:v38+s4+$0x0], $0xffff  }
0x16c: {  	s17 =	simm.s32 $0x100;
	s18 =	simm.s32 $0x200;
	[tilespmem:s6+$0x6220] =	vst v36  }
0x16d: {  	s7 =	sand.u32 $0x380, s17;
	s8 =	sand.u32 $0x1800, s18;
	v47 =	vadd.s32 v23, v45;
	v46 =	vld.idx.msk [tilespmem:v40+s4+$0x0], $0xffff;
	v63 =	vmul.f32 v39, v15  }
0x16e: {  	s7 =	sor.u32 s7, s8;
	v40 =	vor.u32 v44, v47  }
0x16f: {  	v48 =	vadd.s32 v20, v35;
	[tilespmem:s7+$0x6200] =	vst v63  }
0x170: {  	s19 =	simm.s32 $0x3;
	v50 =	vor.u32 v32, v48;
	v41 =	vld.idx.msk [tilespmem:v62+s4+$0x0], $0xffff;
	v49 =	vmul.f32 v38, v10  }
0x171: {  	v51 =	vmov s19  }
0x172: {  	v52 =	vshll.u32 v51, $0x8;
	v53 =	vadd.s32 v18, v34;
	v39 =	vmul.f32 v46, v12;
	[tilespmem:s5+$0x6250] =	vst v49  }
0x173: {  	v54 =	vor.u32 v33, v53;
	v36 =	vshll.u32 v51, $0x7;
	v37 =	vand.u32 $0x1800, v52;
	v40 =	vld.idx.msk [tilespmem:v40+s4+$0x0], $0xffff  }
0x174: {  	v36 =	vand.u32 $0x380, v36;
	v55 =	vadd.s32 v16, v37;
	[tilespmem:s6+$0x6230] =	vst v39  }
0x175: {  	v56 =	vadd.s32 v24, v45;
	v43 =	vor.u32 v36, v55;
	v38 =	vld.idx.msk [tilespmem:v50+s4+$0x0], $0xffff;
	v41 =	vmul.f32 v41, v14  }
0x176: {  	v39 =	vor.u32 v44, v56  }
0x177: {  	v57 =	vadd.s32 v22, v35;
	[tilespmem:s7+$0x6210] =	vst v41  }
0x178: {  	v41 =	vor.u32 v32, v57;
	v42 =	vld.idx.msk [tilespmem:v54+s4+$0x0], $0xffff;
	v40 =	vmul.f32 v40, v9;
	_ =	sdelay $0x1  }
0x179: {  	v58 =	vadd.s32 v19, v34;
	v43 =	vld.idx.msk [tilespmem:v43+s4+$0x0], $0xffff;
	v38 =	vmul.f32 v38, v11;
	[tilespmem:s5+$0x6260] =	vst v40  }
0x17a: {  	v40 =	vor.u32 v33, v58;
	v39 =	vld.idx.msk [tilespmem:v39+s4+$0x0], $0xffff  }
0x17b: {  	v59 =	vadd.s32 v17, v37;
	[tilespmem:s6+$0x6240] =	vst v38  }
0x17c: {  	v60 =	vadd.s32 v26, v45;
	v46 =	vor.u32 v36, v59;
	v41 =	vld.idx.msk [tilespmem:v41+s4+$0x0], $0xffff;
	v42 =	vmul.f32 v42, v13  }
0x17d: {  	s20 =	simm.s32 $0x180;
	s21 =	simm.s32 $0x300;
	v38 =	vor.u32 v44, v60  }
0x17e: {  	s9 =	sand.u32 $0x1800, s21;
	s8 =	sand.u32 $0x380, s20;
	v61 =	vadd.s32 v23, v35;
	v43 =	vmul.f32 v43, v15;
	[tilespmem:s7+$0x6220] =	vst v42  }
0x17f: {  	s8 =	sor.u32 s8, s9;
	v42 =	vor.u32 v32, v61;
	v40 =	vld.idx.msk [tilespmem:v40+s4+$0x0], $0xffff;
	v39 =	vmul.f32 v39, v8  }
0x180: {  	s22 =	simm.s32 $0x4;
	[tilespmem:s8+$0x6200] =	vst v43  }
0x181: {  	v63 =	vadd.s32 v20, v34;
	v62 =	vmov s22;
	v46 =	vld.idx.msk [tilespmem:v46+s4+$0x0], $0xffff;
	v41 =	vmul.f32 v41, v10;
	[tilespmem:s5+$0x6270] =	vst v39  }
0x182: {  	v52 =	vshll.u32 v62, $0x8;
	v54 =	vor.u32 v33, v63;
	v53 =	vld.idx.msk [tilespmem:v38+s4+$0x0], $0xffff  }
0x183: {  	v55 =	vshll.u32 v62, $0x7;
	v56 =	vadd.s32 v28, v45;
	v57 =	vadd.s32 v18, v37;
	[tilespmem:s6+$0x6250] =	vst v41  }
0x184: {  	v43 =	vor.u32 v36, v57;
	v42 =	vld.idx.msk [tilespmem:v42+s4+$0x0], $0xffff;
	v38 =	vand.u32 $0x1800, v52;
	v40 =	vmul.f32 v40, v12  }
0x185: {  	v41 =	vor.u32 v44, v56;
	v39 =	vand.u32 $0x380, v55;
	v47 =	vadd.s32 v16, v38  }
0x186: {  	v58 =	vadd.s32 v24, v35;
	v46 =	vmul.f32 v46, v14;
	v59 =	vor.u32 v39, v47;
	[tilespmem:s7+$0x6230] =	vst v40  }
0x187: {  	v61 =	vor.u32 v32, v58;
	v60 =	vld.idx.msk [tilespmem:v54+s4+$0x0], $0xffff;
	v48 =	vmul.f32 v53, v7  }
0x188: {  	[tilespmem:s8+$0x6210] =	vst v46  }
0x189: {  	v62 =	vadd.s32 v22, v34;
	v43 =	vld.idx.msk [tilespmem:v43+s4+$0x0], $0xffff;
	v42 =	vmul.f32 v42, v9;
	[tilespmem:s5+$0x6600] =	vst v48  }
0x18a: {  	v46 =	vor.u32 v33, v62;
	v41 =	vld.idx.msk [tilespmem:v41+s4+$0x0], $0xffff  }
0x18b: {  	v63 =	vadd.s32 v19, v37;
	[tilespmem:s6+$0x6260] =	vst v42;
	v40 =	vld.idx.msk [tilespmem:v59+s4+$0x0], $0xffff  }
0x18c: {  	v53 =	vadd.s32 v29, v45;
	v42 =	vor.u32 v36, v63;
	v52 =	vld.idx.msk [tilespmem:v61+s4+$0x0], $0xffff;
	v47 =	vmul.f32 v60, v11  }
0x18d: {  	v54 =	vadd.s32 v17, v38;
	v49 =	vor.u32 v44, v53  }
0x18e: {  	v55 =	vadd.s32 v26, v35;
	v43 =	vmul.f32 v43, v13;
	v50 =	vor.u32 v39, v54;
	[tilespmem:s7+$0x6240] =	vst v47  }
0x18f: {  	s23 =	simm.s32 $0x200;
	s24 =	simm.s32 $0x400;
	v47 =	vor.u32 v32, v55;
	v46 =	vld.idx.msk [tilespmem:v46+s4+$0x0], $0xffff;
	v41 =	vmul.f32 v41, v6  }
0x190: {  	s10 =	sand.u32 $0x1800, s24;
	s9 =	sand.u32 $0x380, s23;
	[tilespmem:s8+$0x6220] =	vst v43;
	v40 =	vmul.f32 v40, v15  }
0x191: {  	s25 =	simm.s32 $0x5;
	s9 =	sor.u32 s9, s10;
	v56 =	vadd.s32 v23, v34;
	v42 =	vld.idx.msk [tilespmem:v42+s4+$0x0], $0xffff;
	v48 =	vmul.f32 v52, v8;
	[tilespmem:s5+$0x6610] =	vst v41  }
0x192: {  	v57 =	vmov s25;
	v43 =	vor.u32 v33, v56;
	[tilespmem:s9+$0x6200] =	vst v40;
	v49 =	vld.idx.msk [tilespmem:v49+s4+$0x0], $0xffff  }
0x193: {  	v58 =	vshll.u32 v57, $0x7;
	v62 =	vadd.s32 v18, v38;
	v59 =	vadd.s32 v20, v37;
	[tilespmem:s6+$0x6270] =	vst v48;
	v50 =	vld.idx.msk [tilespmem:v50+s4+$0x0], $0xffff  }
0x194: {  	v60 =	vadd.s32 v27, v45;
	v48 =	vor.u32 v36, v59;
	v47 =	vld.idx.msk [tilespmem:v47+s4+$0x0], $0xffff;
	v46 =	vmul.f32 v46, v10  }
0x195: {  	v63 =	vor.u32 v39, v62;
	v61 =	vadd.s32 v28, v35;
	v51 =	vor.u32 v44, v60  }
0x196: {  	v52 =	vor.u32 v32, v61;
	v41 =	vshll.u32 v57, $0x8;
	v42 =	vmul.f32 v42, v12;
	[tilespmem:s7+$0x6250] =	vst v46  }
0x197: {  	v40 =	vand.u32 $0x380, v58;
	v41 =	vand.u32 $0x1800, v41;
	v43 =	vld.idx.msk [tilespmem:v43+s4+$0x0], $0xffff;
	v49 =	vmul.f32 v49, v5  }
0x198: {  	v58 =	vadd.s32 v24, v34;
	v56 =	vadd.s32 v16, v41;
	[tilespmem:s8+$0x6230] =	vst v42;
	v50 =	vmul.f32 v50, v14  }
0x199: {  	v57 =	vor.u32 v40, v56;
	v48 =	vld.idx.msk [tilespmem:v48+s4+$0x0], $0xffff;
	v47 =	vmul.f32 v47, v7;
	[tilespmem:s5+$0x6620] =	vst v49  }
0x19a: {  	v59 =	vor.u32 v33, v58;
	[tilespmem:s9+$0x6210] =	vst v50;
	v60 =	vld.idx.msk [tilespmem:v51+s4+$0x0], $0xffff  }
0x19b: {  	v61 =	vadd.s32 v22, v37;
	[tilespmem:s6+$0x6600] =	vst v47  }
0x19c: {  	v46 =	vld.idx.msk [tilespmem:v63+s4+$0x0], $0xffff;
	v47 =	vor.u32 v36, v61;
	v63 =	vadd.s32 v30, v45;
	v43 =	vmul.f32 v43, v9  }
0x19d: {  	v58 =	vadd.s32 v17, v41;
	v62 =	vld.idx.msk [tilespmem:v52+s4+$0x0], $0xffff;
	v52 =	vor.u32 v44, v63  }
0x19e: {  	v56 =	vadd.s32 v19, v38;
	v42 =	vld.idx.msk [tilespmem:v57+s4+$0x0], $0xffff;
	v48 =	vmul.f32 v48, v11;
	[tilespmem:s7+$0x6260] =	vst v43  }
0x19f: {  	v57 =	vadd.s32 v29, v35;
	v43 =	vor.u32 v39, v56;
	v49 =	vld.idx.msk [tilespmem:v59+s4+$0x0], $0xffff;
	v50 =	vmul.f32 v60, v4  }
0x1a0: {  	v54 =	vor.u32 v40, v58;
	v53 =	vor.u32 v32, v57;
	[tilespmem:s8+$0x6240] =	vst v48  }
0x1a1: {  	v59 =	vadd.s32 v26, v34;
	v46 =	vmul.f32 v46, v13;
	v47 =	vld.idx.msk [tilespmem:v47+s4+$0x0], $0xffff;
	[tilespmem:s5+$0x6630] =	vst v50  }
0x1a2: {  	s26 =	simm.s32 $0x6;
	s28 =	simm.s32 $0x280;
	s29 =	simm.s32 $0x500;
	v61 =	vadd.s32 v25, v45;
	v48 =	vor.u32 v33, v59;
	v60 =	vmul.f32 v62, v6;
	v51 =	vld.idx.msk [tilespmem:v52+s4+$0x0], $0xffff  }
0x1a3: {  	s12 =	sand.u32 $0x1800, s29;
	s11 =	sand.u32 $0x380, s28;
	v63 =	vmov s26;
	v42 =	vmul.f32 v42, v15;
	v62 =	vadd.s32 v23, v37;
	[tilespmem:s9+$0x6220] =	vst v46  }
0x1a4: {  	s10 =	sor.u32 s11, s12;
	v58 =	vshll.u32 v63, $0x7;
	v59 =	vadd.s32 v20, v38;
	[tilespmem:s6+$0x6610] =	vst v60;
	v56 =	vld.idx.msk [tilespmem:v43+s4+$0x0], $0xffff;
	v57 =	vmul.f32 v49, v8  }
0x1a5: {  	[tilespmem:s10+$0x6200] =	vst v42;
	v46 =	vor.u32 v44, v61;
	v42 =	vand.u32 $0x380, v58;
	v52 =	vld.idx.msk [tilespmem:v53+s4+$0x0], $0xffff;
	v49 =	vor.u32 v36, v62  }
0x1a6: {  	v61 =	vadd.s32 v27, v35;
	v50 =	vshll.u32 v63, $0x8;
	v54 =	vld.idx.msk [tilespmem:v54+s4+$0x0], $0xffff;
	v60 =	vmul.f32 v47, v10;
	[tilespmem:s7+$0x6270] =	vst v57  }
0x1a7: {  	v63 =	vadd.s32 v18, v41;
	v47 =	vor.u32 v39, v59;
	v48 =	vld.idx.msk [tilespmem:v48+s4+$0x0], $0xffff;
	v51 =	vmul.f32 v51, v3  }
0x1a8: {  	v53 =	vor.u32 v32, v61;
	v43 =	vand.u32 $0x1800, v50;
	v62 =	vadd.s32 v28, v34;
	[tilespmem:s8+$0x6250] =	vst v60  }
0x1a9: {  	v61 =	vadd.s32 v16, v43;
	v60 =	vmul.f32 v56, v12;
	[tilespmem:s5+$0x6640] =	vst v51;
	v51 =	vor.u32 v40, v63  }
0x1aa: {  	v55 =	vor.u32 v33, v62;
	v62 =	vadd.s32 v24, v37;
	v52 =	vmul.f32 v52, v5;
	v49 =	vld.idx.msk [tilespmem:v49+s4+$0x0], $0xffff  }
0x1ab: {  	v54 =	vmul.f32 v54, v14;
	[tilespmem:s9+$0x6230] =	vst v60;
	v63 =	vor.u32 v42, v61;
	v46 =	vld.idx.msk [tilespmem:v46+s4+$0x0], $0xffff  }
0x1ac: {  	v57 =	vadd.s32 v21, v45;
	[tilespmem:s6+$0x6620] =	vst v52;
	v47 =	vld.idx.msk [tilespmem:v47+s4+$0x0], $0xffff;
	v48 =	vmul.f32 v48, v7  }
0x1ad: {  	v45 =	vadd.s32 v31, v45;
	[tilespmem:s10+$0x6210] =	vst v54;
	v60 =	vor.u32 v36, v62;
	v53 =	vld.idx.msk [tilespmem:v53+s4+$0x0], $0xffff  }
0x1ae: {  	v45 =	vor.u32 v44, v45;
	v54 =	vor.u32 v44, v57;
	[tilespmem:s7+$0x6600] =	vst v48;
	v48 =	vld.idx.msk [tilespmem:v51+s4+$0x0], $0xffff  }
0x1af: {  	v61 =	vadd.s32 v22, v38;
	v62 =	vadd.s32 v30, v35;
	v49 =	vmul.f32 v49, v9;
	v55 =	vld.idx.msk [tilespmem:v55+s4+$0x0], $0xffff  }
0x1b0: {  	v51 =	vor.u32 v39, v61;
	v50 =	vld.idx.msk [tilespmem:v63+s4+$0x0], $0xffff;
	v63 =	vadd.s32 v19, v41;
	v46 =	vmul.f32 v46, v2  }
0x1b1: {  	v61 =	vadd.s32 v17, v43;
	[tilespmem:s8+$0x6260] =	vst v49;
	v49 =	vor.u32 v32, v62;
	v47 =	vmul.f32 v47, v11  }
0x1b2: {  	v52 =	vld.idx.msk [tilespmem:v60+s4+$0x0], $0xffff;
	v60 =	vadd.s32 v29, v34;
	[tilespmem:s5+$0x6650] =	vst v46;
	v46 =	vor.u32 v40, v63  }
0x1b3: {  	v53 =	vmul.f32 v53, v4;
	v62 =	vadd.s32 v26, v37;
	v56 =	vor.u32 v33, v60  }
0x1b4: {  	v57 =	vor.u32 v42, v61;
	[tilespmem:s9+$0x6240] =	vst v47;
	v54 =	vld.idx.msk [tilespmem:v54+s4+$0x0], $0xffff;
	v48 =	vmul.f32 v48, v13  }
0x1b5: {  	s13 =	simm.s32 $0x600;
	s12 =	simm.s32 $0x300;
	[tilespmem:s6+$0x6630] =	vst v53;
	v47 =	vor.u32 v36, v62;
	v51 =	vld.idx.msk [tilespmem:v51+s4+$0x0], $0xffff;
	v63 =	vmul.f32 v55, v6  }
0x1b6: {  	s30 =	sand.u32 $0x1800, s13;
	s31 =	sand.u32 $0x380, s12;
	v60 =	vadd.s32 v25, v35;
	v50 =	vmul.f32 v50, v15;
	v49 =	vld.idx.msk [tilespmem:v49+s4+$0x0], $0xffff;
	[tilespmem:s10+$0x6220] =	vst v48  }
0x1b7: {  	s15 =	simm.s32 $0x7;
	s11 =	sor.u32 s31, s30;
	v61 =	vadd.s32 v23, v38;
	v60 =	vor.u32 v32, v60;
	[tilespmem:s7+$0x6610] =	vst v63;
	v58 =	vld.idx.msk [tilespmem:v46+s4+$0x0], $0xffff  }
0x1b8: {  	v62 =	vmul.f32 v52, v8;
	v63 =	vmov s15;
	[tilespmem:s11+$0x6200] =	vst v50;
	v50 =	vor.u32 v39, v61;
	v59 =	vld.idx.msk [tilespmem:v56+s4+$0x0], $0xffff  }
0x1b9: {  	v52 =	vshll.u32 v63, $0x7;
	v56 =	vld.idx.msk [tilespmem:v57+s4+$0x0], $0xffff;
	v57 =	vadd.s32 v20, v41;
	v53 =	vmul.f32 v54, v1  }
0x1ba: {  	[tilespmem:s8+$0x6270] =	vst v62;
	v55 =	vor.u32 v40, v57;
	v62 =	vadd.s32 v27, v34;
	v61 =	vmul.f32 v51, v10  }
0x1bb: {  	v44 =	vand.u32 $0x380, v52;
	v52 =	vadd.s32 v28, v37;
	v51 =	vld.idx.msk [tilespmem:v47+s4+$0x0], $0xffff;
	[tilespmem:s5+$0x6660] =	vst v53;
	v49 =	vmul.f32 v49, v3  }
0x1bc: {  	v54 =	vshll.u32 v63, $0x8;
	v63 =	vadd.s32 v18, v43;
	v48 =	vor.u32 v33, v62;
	v46 =	vld.idx.msk [tilespmem:v45+s4+$0x0], $0xffff;
	[tilespmem:s9+$0x6250] =	vst v61  }
0x1bd: {  	v47 =	vadd.s32 v21, v35;
	v45 =	vand.u32 $0x1800, v54;
	v57 =	vmul.f32 v58, v12;
	v53 =	vld.idx.msk [tilespmem:v50+s4+$0x0], $0xffff;
	[tilespmem:s6+$0x6640] =	vst v49  }
0x1be: {  	s14 =	simm.s32 $0x8;
	v54 =	vadd.s32 v24, v38;
	v58 =	vor.u32 v42, v63;
	v50 =	vmul.f32 v59, v5;
	v49 =	vld.idx.msk [tilespmem:v60+s4+$0x0], $0xffff  }
.LBB2_3:
0x1bf: {  	p0 =	sne.s32 s14, $0x1F;
	v59 =	vadd.s32 v16, v45;
	v56 =	vmul.f32 v56, v14;
	[tilespmem:s10+$0x6230] =	vst v57;
	v52 =	vor.u32 v36, v52  }
0x1c0: {  	v51 =	vmul.f32 v51, v7;
	v57 =	vor.u32 v44, v59;
	v55 =	vld.idx.msk [tilespmem:v55+s4+$0x0], $0xffff;
	[tilespmem:s7+$0x6620] =	vst v50;
	v50 =	vmov v39  }
0x1c1: {  	v46 =	vmul.f32 v46, v0;
	v39 =	vmov v40;
	[tilespmem:s11+$0x6210] =	vst v56;
	v54 =	vor.u32 v50, v54;
	v48 =	vld.idx.msk [tilespmem:v48+s4+$0x0], $0xffff  }
0x1c2: {  	v47 =	vor.u32 v32, v47;
	v40 =	vmovc v42;
	v42 =	vmovc v44;
	v44 =	vmov v35;
	v35 =	vmov v34;
	[tilespmem:s8+$0x6600] =	vst v51  }
0x1c3: {  	v34 =	vmov v37;
	v56 =	vadd.s32 v22, v41;
	v53 =	vmul.f32 v53, v9;
	v51 =	vld.idx.msk [tilespmem:v58+s4+$0x0], $0xffff;
	[tilespmem:s5+$0x6670] =	vst v46;
	s5 =	smov.u32 s6;
	s6 =	smov.u32 s7;
	s7 =	smov.u32 s8  }
0x1c4: {  	v46 =	vor.u32 v39, v56;
	v58 =	vadd.s32 v30, v35;
	v49 =	vmul.f32 v49, v2;
	s8 =	smov.u32 s9;
	s9 =	smov.u32 s10;
	s10 =	smov.u32 s11;
	v52 =	vld.idx.msk [tilespmem:v52+s4+$0x0], $0xffff  }
0x1c5: {  	v37 =	vmovc v38;
	v38 =	vmov v41;
	v41 =	vmov v43;
	v56 =	vld.idx.msk [tilespmem:v57+s4+$0x0], $0xffff;
	[tilespmem:s8+$0x6260] =	vst v53;
	v53 =	vor.u32 v33, v58  }
0x1c6: {  	v43 =	vmov v45;
	v57 =	vadd.s32 v19, v41;
	v55 =	vmul.f32 v55, v11;
	v54 =	vld.idx.msk [tilespmem:v54+s4+$0x0], $0xffff;
	[tilespmem:s5+$0x6650] =	vst v49  }
0x1c7: {  	v45 =	vor.u32 v40, v57;
	v49 =	vadd.s32 v29, v34;
	v48 =	vmul.f32 v48, v4;
	v47 =	vld.idx.msk [tilespmem:v47+s4+$0x0], $0xffff  }
0x1c8: {  	v57 =	vadd.s32 v17, v43;
	v49 =	vor.u32 v36, v49;
	[tilespmem:s9+$0x6240] =	vst v55;
	v55 =	vadd.s32 v26, v37  }
0x1c9: {  	v57 =	vor.u32 v42, v57;
	v51 =	vmul.f32 v51, v13;
	v46 =	vld.idx.msk [tilespmem:v46+s4+$0x0], $0xffff;
	[tilespmem:s6+$0x6630] =	vst v48  }
0x1ca: {  	s12 =	sadd.s32 $0x80, s12;
	s13 =	sadd.s32 $0x100, s13;
	v44 =	vadd.s32 v31, v44;
	v48 =	vor.u32 v50, v55;
	v52 =	vmul.f32 v52, v6;
	v53 =	vld.idx.msk [tilespmem:v53+s4+$0x0], $0xffff  }
0x1cb: {  	s15 =	sand.u32 $0x380, s12;
	s11 =	sand.u32 $0x1800, s13;
	v58 =	vor.u32 v32, v44;
	v55 =	vmul.f32 v56, v15;
	[tilespmem:s10+$0x6220] =	vst v51;
	v51 =	vadd.s32 v25, v35  }
0x1cc: {  	s11 =	sor.u32 s15, s11;
	v44 =	vadd.s32 v23, v38;
	v32 =	vmov v33;
	v59 =	vld.idx.msk [tilespmem:v45+s4+$0x0], $0xffff;
	v45 =	vmul.f32 v54, v8;
	[tilespmem:s7+$0x6610] =	vst v52  }
0x1cd: {  	v33 =	vmovc v36;
	v52 =	vmov s14;
	v54 =	vor.u32 v39, v44;
	v47 =	vmul.f32 v47, v1;
	[tilespmem:s11+$0x6200] =	vst v55;
	v49 =	vld.idx.msk [tilespmem:v49+s4+$0x0], $0xffff  }
0x1ce: {  	v36 =	vmovc v50;
	v61 =	vor.u32 v32, v51;
	v60 =	vshll.u32 v52, $0x8;
	v44 =	vshll.u32 v52, $0x7;
	v56 =	vld.idx.msk [tilespmem:v57+s4+$0x0], $0xffff;
	[tilespmem:s8+$0x6270] =	vst v45  }
.Ltmp1:
0x1cf: {  	v44 =	vand.u32 $0x380, v44;
	v45 =	vadd.s32 v20, v41;
	v50 =	vmul.f32 v46, v10;
	v51 =	vld.idx.msk [tilespmem:v48+s4+$0x0], $0xffff;
	[tilespmem:s5+$0x6660] =	vst v47;
	(pc) =	sbr.rel @p0 .LBB2_3-.Ltmp1, $4  }
0x1d0: {  	v55 =	vor.u32 v40, v45;
	v45 =	vadd.s32 v27, v34;
	v62 =	vmul.f32 v53, v3;
	v46 =	vld.idx.msk [tilespmem:v58+s4+$0x0], $0xffff  }
0x1d1: {  	v52 =	vadd.s32 v28, v37;
	v47 =	vadd.s32 v21, v35;
	v48 =	vor.u32 v33, v45;
	[tilespmem:s9+$0x6250] =	vst v50  }
0x1d2: {  	v45 =	vand.u32 $0x1800, v60;
	v50 =	vadd.s32 v18, v43;
	v57 =	vmul.f32 v59, v12;
	v53 =	vld.idx.msk [tilespmem:v54+s4+$0x0], $0xffff;
	[tilespmem:s6+$0x6640] =	vst v62  }
0x1d3: {  	s14 =	sadd.s32 $0x1, s14;
	v58 =	vor.u32 v42, v50;
	v54 =	vadd.s32 v24, v38;
	v50 =	vmul.f32 v49, v5;
	v49 =	vld.idx.msk [tilespmem:v61+s4+$0x0], $0xffff  }
0x1d4: {  	v16 =	vadd.s32 v16, v45  }
0x1d5: {  	v16 =	vor.u32 v44, v16;
	_ =	sdelay $0x4  }
0x1d6: {  	v16 =	vld.idx.msk [tilespmem:v16+s4+$0x0], $0xffff;
	_ =	sdelay $0x1  }
0x1d7: {  	v17 =	vadd.s32 v17, v45  }
0x1d8: {  	v17 =	vor.u32 v44, v17  }
0x1d9: {  	s12 =	sadd.s32 $0x80, s12;
	s13 =	sadd.s32 $0x100, s13  }
0x1da: {  	s13 =	sand.u32 $0x1800, s13;
	s12 =	sand.u32 $0x380, s12;
	v15 =	vmul.f32 v16, v15  }
0x1db: {  	s12 =	sor.u32 s12, s13  }
0x1dc: {  	[tilespmem:s12+$0x6200] =	vst v15  }
0x1dd: {  	v15 =	vld.idx.msk [tilespmem:v17+s4+$0x0], $0xffff;
	_ =	sdelay $0x1  }
0x1de: {  	v62 =	vadd.s32 v18, v45  }
0x1df: {  	v16 =	vor.u32 v44, v62  }
0x1e0: {  	v63 =	vmul.f32 v56, v14  }
0x1e1: {  	v18 =	vmul.f32 v15, v14  }
0x1e2: {  	[tilespmem:s11+$0x6210] =	vst v63  }
0x1e3: {  	v56 =	vld.idx.msk [tilespmem:v58+s4+$0x0], $0xffff;
	[tilespmem:s12+$0x6210] =	vst v18  }
0x1e4: {  	v14 =	vld.idx.msk [tilespmem:v16+s4+$0x0], $0xffff  }
0x1e5: {  	v58 =	vadd.s32 v19, v43  }
0x1e6: {  	v59 =	vadd.s32 v19, v45;
	v16 =	vor.u32 v42, v58  }
0x1e7: {  	v17 =	vor.u32 v44, v59  }
0x1e8: {  	v15 =	vmul.f32 v56, v13  }
0x1e9: {  	v60 =	vmul.f32 v14, v13  }
0x1ea: {  	[tilespmem:s11+$0x6220] =	vst v15  }
0x1eb: {  	v61 =	vld.idx.msk [tilespmem:v16+s4+$0x0], $0xffff;
	[tilespmem:s12+$0x6220] =	vst v60  }
0x1ec: {  	v13 =	vld.idx.msk [tilespmem:v17+s4+$0x0], $0xffff  }
0x1ed: {  	v62 =	vadd.s32 v20, v43  }
0x1ee: {  	v63 =	vadd.s32 v20, v45;
	v15 =	vor.u32 v42, v62  }
0x1ef: {  	v16 =	vor.u32 v44, v63  }
0x1f0: {  	v14 =	vmul.f32 v61, v12  }
0x1f1: {  	[tilespmem:s10+$0x6230] =	vst v57;
	v20 =	vmul.f32 v13, v12  }
0x1f2: {  	v55 =	vld.idx.msk [tilespmem:v55+s4+$0x0], $0xffff;
	[tilespmem:s11+$0x6230] =	vst v14  }
0x1f3: {  	v14 =	vld.idx.msk [tilespmem:v15+s4+$0x0], $0xffff;
	[tilespmem:s12+$0x6230] =	vst v20  }
0x1f4: {  	v56 =	vadd.s32 v22, v41;
	v57 =	vld.idx.msk [tilespmem:v16+s4+$0x0], $0xffff  }
0x1f5: {  	v58 =	vadd.s32 v22, v43;
	v12 =	vor.u32 v40, v56  }
0x1f6: {  	v59 =	vadd.s32 v22, v45;
	v16 =	vor.u32 v42, v58  }
0x1f7: {  	v17 =	vor.u32 v44, v59;
	v13 =	vmul.f32 v55, v11  }
0x1f8: {  	v14 =	vmul.f32 v14, v11  }
0x1f9: {  	[tilespmem:s10+$0x6240] =	vst v13;
	v60 =	vmul.f32 v57, v11  }
0x1fa: {  	v12 =	vld.idx.msk [tilespmem:v12+s4+$0x0], $0xffff;
	[tilespmem:s11+$0x6240] =	vst v14  }
0x1fb: {  	v61 =	vld.idx.msk [tilespmem:v16+s4+$0x0], $0xffff;
	[tilespmem:s12+$0x6240] =	vst v60  }
0x1fc: {  	v62 =	vadd.s32 v23, v41;
	v63 =	vld.idx.msk [tilespmem:v17+s4+$0x0], $0xffff  }
0x1fd: {  	v19 =	vadd.s32 v23, v43;
	v11 =	vor.u32 v40, v62  }
0x1fe: {  	v15 =	vor.u32 v42, v19;
	v20 =	vadd.s32 v23, v45  }
0x1ff: {  	v16 =	vor.u32 v44, v20;
	v12 =	vmul.f32 v12, v10  }
0x200: {  	v13 =	vmul.f32 v61, v10  }
0x201: {  	[tilespmem:s10+$0x6250] =	vst v12;
	v22 =	vmul.f32 v63, v10  }
0x202: {  	v11 =	vld.idx.msk [tilespmem:v11+s4+$0x0], $0xffff;
	[tilespmem:s11+$0x6250] =	vst v13  }
0x203: {  	v23 =	vld.idx.msk [tilespmem:v15+s4+$0x0], $0xffff;
	[tilespmem:s12+$0x6250] =	vst v22  }
0x204: {  	v55 =	vor.u32 v39, v54;
	v56 =	vadd.s32 v24, v41;
	v57 =	vld.idx.msk [tilespmem:v16+s4+$0x0], $0xffff  }
0x205: {  	v58 =	vadd.s32 v24, v43;
	v13 =	vor.u32 v40, v56  }
0x206: {  	v59 =	vmul.f32 v53, v9;
	v60 =	vadd.s32 v24, v45;
	v15 =	vor.u32 v42, v58  }
0x207: {  	v17 =	vor.u32 v44, v60;
	v11 =	vmul.f32 v11, v9  }
0x208: {  	[tilespmem:s9+$0x6260] =	vst v59;
	v12 =	vmul.f32 v23, v9  }
0x209: {  	v10 =	vld.idx.msk [tilespmem:v55+s4+$0x0], $0xffff;
	[tilespmem:s10+$0x6260] =	vst v11;
	v61 =	vmul.f32 v57, v9  }
0x20a: {  	v11 =	vld.idx.msk [tilespmem:v13+s4+$0x0], $0xffff;
	[tilespmem:s11+$0x6260] =	vst v12  }
0x20b: {  	v62 =	vadd.s32 v26, v38;
	v63 =	vld.idx.msk [tilespmem:v15+s4+$0x0], $0xffff;
	[tilespmem:s12+$0x6260] =	vst v61  }
0x20c: {  	v20 =	vor.u32 v39, v62;
	v22 =	vadd.s32 v26, v41;
	v23 =	vld.idx.msk [tilespmem:v17+s4+$0x0], $0xffff  }
0x20d: {  	v24 =	vadd.s32 v26, v43;
	v12 =	vor.u32 v40, v22  }
0x20e: {  	v53 =	vadd.s32 v26, v45;
	v10 =	vmul.f32 v10, v8;
	v15 =	vor.u32 v42, v24  }
0x20f: {  	v16 =	vor.u32 v44, v53;
	v11 =	vmul.f32 v11, v8  }
0x210: {  	[tilespmem:s9+$0x6270] =	vst v10;
	v54 =	vmul.f32 v63, v8  }
0x211: {  	v9 =	vld.idx.msk [tilespmem:v20+s4+$0x0], $0xffff;
	[tilespmem:s10+$0x6270] =	vst v11;
	v55 =	vmul.f32 v23, v8  }
0x212: {  	v56 =	vor.u32 v36, v52;
	v11 =	vld.idx.msk [tilespmem:v12+s4+$0x0], $0xffff;
	[tilespmem:s11+$0x6270] =	vst v54  }
0x213: {  	v57 =	vadd.s32 v28, v38;
	v58 =	vld.idx.msk [tilespmem:v15+s4+$0x0], $0xffff;
	[tilespmem:s12+$0x6270] =	vst v55  }
0x214: {  	v62 =	vmul.f32 v51, v7;
	v60 =	vadd.s32 v28, v41;
	v59 =	vor.u32 v39, v57;
	v61 =	vld.idx.msk [tilespmem:v16+s4+$0x0], $0xffff  }
0x215: {  	v12 =	vor.u32 v40, v60;
	v63 =	vadd.s32 v28, v43  }
0x216: {  	[tilespmem:s8+$0x6600] =	vst v62;
	v20 =	vadd.s32 v28, v45;
	v9 =	vmul.f32 v9, v7;
	v16 =	vor.u32 v42, v63  }
0x217: {  	v10 =	vld.idx.msk [tilespmem:v56+s4+$0x0], $0xffff;
	v22 =	vor.u32 v44, v20;
	v11 =	vmul.f32 v11, v7  }
0x218: {  	[tilespmem:s9+$0x6600] =	vst v9;
	v23 =	vmul.f32 v58, v7  }
0x219: {  	v26 =	vadd.s32 v29, v37;
	v8 =	vld.idx.msk [tilespmem:v59+s4+$0x0], $0xffff;
	[tilespmem:s10+$0x6600] =	vst v11;
	v24 =	vmul.f32 v61, v7  }
0x21a: {  	v28 =	vor.u32 v36, v26;
	v12 =	vld.idx.msk [tilespmem:v12+s4+$0x0], $0xffff;
	[tilespmem:s11+$0x6600] =	vst v23  }
0x21b: {  	v51 =	vadd.s32 v29, v38;
	v52 =	vld.idx.msk [tilespmem:v16+s4+$0x0], $0xffff;
	[tilespmem:s12+$0x6600] =	vst v24  }
0x21c: {  	v53 =	vor.u32 v39, v51;
	v10 =	vmul.f32 v10, v6;
	v54 =	vadd.s32 v29, v41;
	v55 =	vld.idx.msk [tilespmem:v22+s4+$0x0], $0xffff  }
0x21d: {  	v56 =	vadd.s32 v29, v43;
	v11 =	vor.u32 v40, v54  }
0x21e: {  	v57 =	vadd.s32 v29, v45;
	[tilespmem:s8+$0x6610] =	vst v10;
	v15 =	vor.u32 v42, v56;
	v8 =	vmul.f32 v8, v6  }
0x21f: {  	v59 =	vor.u32 v44, v57;
	v9 =	vld.idx.msk [tilespmem:v28+s4+$0x0], $0xffff;
	v58 =	vmul.f32 v12, v6  }
0x220: {  	[tilespmem:s9+$0x6610] =	vst v8;
	v60 =	vmul.f32 v52, v6  }
0x221: {  	v62 =	vadd.s32 v27, v37;
	v7 =	vld.idx.msk [tilespmem:v53+s4+$0x0], $0xffff;
	[tilespmem:s10+$0x6610] =	vst v58;
	v61 =	vmul.f32 v55, v6  }
0x222: {  	v63 =	vor.u32 v36, v62;
	v11 =	vld.idx.msk [tilespmem:v11+s4+$0x0], $0xffff;
	[tilespmem:s11+$0x6610] =	vst v60  }
0x223: {  	v19 =	vadd.s32 v27, v38;
	v17 =	vadd.s32 v21, v38;
	v20 =	vld.idx.msk [tilespmem:v15+s4+$0x0], $0xffff;
	[tilespmem:s12+$0x6610] =	vst v61  }
0x224: {  	v10 =	vor.u32 v39, v19;
	v23 =	vadd.s32 v27, v41;
	v9 =	vmul.f32 v9, v5;
	v12 =	vld.idx.msk [tilespmem:v59+s4+$0x0], $0xffff  }
0x225: {  	[tilespmem:s7+$0x6620] =	vst v50;
	v29 =	vadd.s32 v27, v45;
	v14 =	vor.u32 v40, v23;
	v24 =	vadd.s32 v27, v43  }
0x226: {  	v51 =	vor.u32 v44, v29;
	[tilespmem:s8+$0x6620] =	vst v9;
	v28 =	vor.u32 v42, v24;
	v26 =	vmul.f32 v7, v5  }
0x227: {  	v57 =	vadd.s32 v30, v37;
	v62 =	vadd.s32 v30, v41;
	v8 =	vld.idx.msk [tilespmem:v63+s4+$0x0], $0xffff;
	v50 =	vmul.f32 v11, v5  }
0x228: {  	v22 =	vmul.f32 v49, v2;
	v49 =	vld.idx.msk [tilespmem:v48+s4+$0x0], $0xffff;
	[tilespmem:s9+$0x6620] =	vst v26;
	v53 =	vmul.f32 v20, v5  }
0x229: {  	v54 =	vadd.s32 v30, v34;
	v10 =	vld.idx.msk [tilespmem:v10+s4+$0x0], $0xffff;
	[tilespmem:s10+$0x6620] =	vst v50;
	v55 =	vmul.f32 v12, v5  }
0x22a: {  	v56 =	vor.u32 v33, v54;
	v59 =	vor.u32 v36, v57;
	v58 =	vld.idx.msk [tilespmem:v14+s4+$0x0], $0xffff;
	[tilespmem:s11+$0x6620] =	vst v53  }
0x22b: {  	v54 =	vadd.s32 v25, v45;
	v60 =	vadd.s32 v30, v38;
	v7 =	vld.idx.msk [tilespmem:v28+s4+$0x0], $0xffff;
	[tilespmem:s12+$0x6620] =	vst v55  }
0x22c: {  	v23 =	vadd.s32 v30, v45;
	v8 =	vmul.f32 v8, v4;
	v12 =	vor.u32 v39, v60;
	v11 =	vld.idx.msk [tilespmem:v51+s4+$0x0], $0xffff  }
0x22d: {  	v63 =	vadd.s32 v30, v43;
	[tilespmem:s6+$0x6650] =	vst v22;
	v61 =	vmul.f32 v49, v4;
	v14 =	vor.u32 v40, v62  }
0x22e: {  	v16 =	vadd.s32 v31, v35;
	v22 =	vor.u32 v42, v63;
	[tilespmem:s8+$0x6630] =	vst v8;
	v20 =	vmul.f32 v10, v4  }
0x22f: {  	v26 =	vor.u32 v44, v23;
	[tilespmem:s7+$0x6630] =	vst v61;
	v6 =	vld.idx.msk [tilespmem:v59+s4+$0x0], $0xffff;
	v24 =	vmul.f32 v58, v4  }
0x230: {  	v52 =	vor.u32 v32, v47;
	v9 =	vld.idx.msk [tilespmem:v56+s4+$0x0], $0xffff;
	[tilespmem:s9+$0x6630] =	vst v20;
	v27 =	vmul.f32 v7, v4  }
0x231: {  	v30 =	vadd.s32 v25, v37;
	[tilespmem:s10+$0x6630] =	vst v24;
	v12 =	vld.idx.msk [tilespmem:v12+s4+$0x0], $0xffff;
	v29 =	vmul.f32 v11, v4  }
0x232: {  	v47 =	vor.u32 v36, v30;
	v28 =	vadd.s32 v25, v34;
	v35 =	vld.idx.msk [tilespmem:v14+s4+$0x0], $0xffff;
	[tilespmem:s11+$0x6630] =	vst v27  }
0x233: {  	v48 =	vadd.s32 v25, v38;
	v7 =	vor.u32 v33, v28;
	v10 =	vld.idx.msk [tilespmem:v22+s4+$0x0], $0xffff;
	[tilespmem:s12+$0x6630] =	vst v29  }
0x234: {  	v8 =	vor.u32 v39, v48;
	v50 =	vadd.s32 v25, v41;
	v6 =	vmul.f32 v6, v3;
	v13 =	vld.idx.msk [tilespmem:v26+s4+$0x0], $0xffff  }
0x235: {  	v49 =	vmul.f32 v9, v3;
	v9 =	vor.u32 v40, v50;
	v51 =	vadd.s32 v25, v43  }
0x236: {  	v15 =	vld.idx.msk [tilespmem:v52+s4+$0x0], $0xffff;
	v53 =	vor.u32 v42, v51;
	[tilespmem:s8+$0x6640] =	vst v6;
	v52 =	vmul.f32 v12, v3  }
0x237: {  	v56 =	vor.u32 v44, v54;
	[tilespmem:s7+$0x6640] =	vst v49;
	v5 =	vld.idx.msk [tilespmem:v47+s4+$0x0], $0xffff;
	v55 =	vmul.f32 v35, v3  }
0x238: {  	v19 =	vor.u32 v39, v17;
	v7 =	vld.idx.msk [tilespmem:v7+s4+$0x0], $0xffff;
	[tilespmem:s9+$0x6640] =	vst v52;
	v58 =	vmul.f32 v10, v3  }
0x239: {  	v62 =	vadd.s32 v21, v37;
	[tilespmem:s10+$0x6640] =	vst v55;
	v8 =	vld.idx.msk [tilespmem:v8+s4+$0x0], $0xffff;
	v60 =	vmul.f32 v13, v3  }
0x23a: {  	v63 =	vor.u32 v36, v62;
	v59 =	vadd.s32 v21, v34;
	v9 =	vld.idx.msk [tilespmem:v9+s4+$0x0], $0xffff;
	[tilespmem:s11+$0x6640] =	vst v58  }
0x23b: {  	v30 =	vadd.s32 v31, v34;
	v61 =	vor.u32 v33, v59;
	v12 =	vld.idx.msk [tilespmem:v53+s4+$0x0], $0xffff;
	[tilespmem:s12+$0x6640] =	vst v60  }
0x23c: {  	v57 =	vmul.f32 v15, v1;
	v20 =	vadd.s32 v21, v41;
	v5 =	vmul.f32 v5, v2;
	v11 =	vld.idx.msk [tilespmem:v56+s4+$0x0], $0xffff  }
0x23d: {  	v22 =	vadd.s32 v21, v43;
	v10 =	vor.u32 v40, v20;
	v18 =	vmul.f32 v7, v2  }
0x23e: {  	v25 =	vadd.s32 v21, v45;
	v24 =	vor.u32 v42, v22;
	[tilespmem:s8+$0x6650] =	vst v5;
	v23 =	vmul.f32 v8, v2  }
0x23f: {  	v27 =	vor.u32 v44, v25;
	v4 =	vld.idx.msk [tilespmem:v63+s4+$0x0], $0xffff;
	[tilespmem:s7+$0x6650] =	vst v18;
	v26 =	vmul.f32 v9, v2  }
0x240: {  	v34 =	vadd.s32 v31, v37;
	v6 =	vld.idx.msk [tilespmem:v61+s4+$0x0], $0xffff;
	[tilespmem:s9+$0x6650] =	vst v23;
	v29 =	vmul.f32 v12, v2  }
0x241: {  	v28 =	vor.u32 v32, v16;
	[tilespmem:s10+$0x6650] =	vst v26;
	v7 =	vld.idx.msk [tilespmem:v19+s4+$0x0], $0xffff;
	v32 =	vmul.f32 v11, v2  }
0x242: {  	v49 =	vadd.s32 v31, v45;
	v35 =	vor.u32 v36, v34;
	v10 =	vld.idx.msk [tilespmem:v10+s4+$0x0], $0xffff;
	[tilespmem:s11+$0x6650] =	vst v29  }
0x243: {  	v33 =	vor.u32 v33, v30;
	v36 =	vadd.s32 v31, v38;
	v8 =	vld.idx.msk [tilespmem:v24+s4+$0x0], $0xffff;
	[tilespmem:s12+$0x6650] =	vst v32  }
0x244: {  	v38 =	vor.u32 v39, v36;
	v39 =	vadd.s32 v31, v41;
	v4 =	vmul.f32 v4, v1;
	v9 =	vld.idx.msk [tilespmem:v27+s4+$0x0], $0xffff  }
0x245: {  	[tilespmem:s6+$0x6660] =	vst v57;
	v43 =	vadd.s32 v31, v43;
	v37 =	vmul.f32 v6, v1;
	v11 =	vor.u32 v40, v39  }
0x246: {  	v48 =	vor.u32 v42, v43;
	v41 =	vld.idx.msk [tilespmem:v28+s4+$0x0], $0xffff;
	[tilespmem:s8+$0x6660] =	vst v4;
	v47 =	vmul.f32 v7, v1  }
0x247: {  	v51 =	vor.u32 v44, v49;
	v3 =	vld.idx.msk [tilespmem:v35+s4+$0x0], $0xffff;
	[tilespmem:s7+$0x6660] =	vst v37;
	v50 =	vmul.f32 v10, v1  }
0x248: {  	v5 =	vld.idx.msk [tilespmem:v33+s4+$0x0], $0xffff;
	[tilespmem:s9+$0x6660] =	vst v47;
	v52 =	vmul.f32 v8, v1  }
0x249: {  	[tilespmem:s10+$0x6660] =	vst v50;
	v6 =	vld.idx.msk [tilespmem:v38+s4+$0x0], $0xffff;
	v53 =	vmul.f32 v9, v1  }
0x24a: {  	v54 =	vmul.f32 v46, v0;
	v55 =	vld.idx.msk [tilespmem:v11+s4+$0x0], $0xffff;
	[tilespmem:s11+$0x6660] =	vst v52  }
0x24b: {  	v56 =	vmul.f32 v41, v0;
	v7 =	vld.idx.msk [tilespmem:v48+s4+$0x0], $0xffff;
	[tilespmem:s12+$0x6660] =	vst v53  }
0x24c: {  	[tilespmem:s5+$0x6670] =	vst v54;
	v59 =	vmul.f32 v3, v0;
	v58 =	vld.idx.msk [tilespmem:v51+s4+$0x0], $0xffff  }
0x24d: {  	[tilespmem:s6+$0x6670] =	vst v56;
	v57 =	vmul.f32 v5, v0  }
0x24e: {  	[tilespmem:s8+$0x6670] =	vst v59;
	v60 =	vmul.f32 v6, v0  }
0x24f: {  	[tilespmem:s7+$0x6670] =	vst v57;
	v61 =	vmul.f32 v55, v0  }
0x250: {  	[tilespmem:s9+$0x6670] =	vst v60;
	v62 =	vmul.f32 v7, v0  }
0x251: {  	[tilespmem:s10+$0x6670] =	vst v61;
	v63 =	vmul.f32 v58, v0  }
0x252: {  	s2 =	sadd.s32 s2, s3;
	s26 =	simm.s32 $0x0;
	[tilespmem:s11+$0x6670] =	vst v62  }
0x253: {  	s28 =	simm.s32 $0x6200;
	s29 =	simm.s32 $0x1;
	s2 =	sadd.s32 $0x400, s2;
	[tilespmem:s12+$0x6670] =	vst v63  }
0x254: {  	[hbm4b:s2+s26] =	stream.linear.scatter [tilespmem:s28], [sflag:$0x4], $0x2000, $0x38;
	[tilespmem:$0x8200] =	vst v63  }
0x255: {  	_ =	swait.ge [sflag:s29], $0x2000  }
0x256: {  	[sflag:s29] =	ssyncset.done $0x0  }
0x257: {  	s30 =	simm.s32 $0x3;
	[sflag:s29] =	ssyncadd.s32 $0xFFFFE000  }
0x258: {  	_ =	swait.ge [sflag:s30], $0x2000  }
0x259: {  	[sflag:s30] =	ssyncset.done $0x0  }
0x25a: {  	s31 =	simm.s32 $0x4;
	[sflag:s30] =	ssyncadd.s32 $0xFFFFE000  }
0x25b: {  	_ =	swait.ge [sflag:s31], $0x2000  }
0x25c: {  	[sflag:s31] =	ssyncset.done $0x0  }
0x25d: {  	[sflag:s31] =	ssyncadd.s32 $0xFFFFE000  }
0x25e: {  	_ =	sfence.sel $0x180000  }
0x25f: {  	[bflag:$0x0] =	sbarrier.arrive $0xFFFF  }
0x260: {  	p0 =	sne.s32 s1, $0x0;
	_ =	strace $0x90000047  }
0x261: {  	s0 =	sadd.s32 @!p0 $0x100000, s0;
	[bflag:$0x2] =	sbarrier.arrive $0xFFFF  }
0x262: {  	[sflag:s0] =	ssyncadd.tile.s32 @!p0 $0x1;
	_ =	shalt  }
.Lfunc_end2:
_tile_overlayer_lowered:
.L_overlay_start_2:
0x263: {  	(tag) =	ssettag $0x2  }
0x264: {  	s0 =	rddreg [dreg:$0x0];
	s2 =	stileid.u32  }
0x265: {  	s1 =	rddreg [dreg:$0x1];
	p0 =	sne.s32 s2, $0x0  }
0x266: {  	s3 =	rddreg [dreg:$0x2];
	[bflag:$0x3] =	sbarrier.arrive $0xFFFF;
	s2 =	simm.s32 @!p0 $0x1C05  }
0x267: {  	[timem:s3], [sflag:s2] =	dma.local @!p0 [hbm:s0], s1  }
0x268: {  	s0 =	simm.s32 @!p0 $0x5  }
0x269: {  	_ =	swait.ge @!p0 [sflag:s0], s1  }
0x26a: {  	s1 =	ssub.s32 @!p0 $0x0, s1;
	[sflag:s0] =	ssyncset.done @!p0 $0x0  }
0x26b: {  	[sflag:s0] =	ssyncadd.s32 @!p0 s1  }
0x26c: {  	[bflag:$0x3] =	sbarrier.arrive $0xFFFF  }
0x26d: {  	_ =	shalt  }

</sc_bundles>
